<compile_context>
chip_gen: v7x
topology: tpu7x:2x2x1
jax: 0.10.2.dev20260603
libtpu: 0.0.44.dev20260713+nightly
codegen_flags: <defaults>
</compile_context>

<pallas_src>
import jax
import jax.numpy as jnp
from jax import lax
from jax.experimental import pallas as pl
from jax.experimental.pallas import tpu as pltpu
from jax.experimental.pallas import tpu_sc as plsc

N = 10000
E = 320000
NC = 2
NS = 16
NW = NC * NS
CH = 125
K = 80
R = 10240
RPT = R // NS
IZ = 128


def _wid():
    return lax.axis_index("c") * NS + lax.axis_index("s")


def _sc_mesh():
    return plsc.VectorSubcoreMesh(core_axis_name="c", subcore_axis_name="s")


def _sc_degree(dst3, const16):
    def body(dst_hbm, const_hbm, out_hbm, acc, dst_v, ones_v):
        c = lax.axis_index("c")
        s = lax.axis_index("s")
        pltpu.sync_copy(dst_hbm.at[_wid()], dst_v)
        pltpu.sync_copy(const_hbm.at[pl.ds(0, CH)], ones_v)
        base = s * RPT
        for t in range(RPT // IZ):
            pltpu.sync_copy(const_hbm.at[pl.ds(CH, IZ)],
                            acc.at[pl.ds(base + t * IZ, IZ)])
        plsc.subcore_barrier()

        def step(j, carry):
            pltpu.sync_copy(ones_v, acc.at[dst_v.at[j]], add=True)
            return carry

        lax.fori_loop(0, K, step, 0)
        plsc.subcore_barrier()
        pltpu.sync_copy(acc.at[pl.ds(base, RPT)],
                        out_hbm.at[c].at[pl.ds(base, RPT)])

    return pl.kernel(
        body,
        out_type=jax.ShapeDtypeStruct((NC, R, 16), jnp.float32),
        mesh=_sc_mesh(),
        compiler_params=pltpu.CompilerParams(use_tc_tiling_on_sc=False),
        scratch_types=[
            pltpu.VMEM_SHARED((R, 16), jnp.float32),
            pltpu.VMEM((K, CH), jnp.int32),
            pltpu.VMEM((CH, 16), jnp.float32),
        ],
    )(dst3, const16)


def _sc_scatter64(u_tab, src3, dst3, zeros64):
    def body(u_hbm, src_hbm, dst_hbm, z_hbm, out_hbm,
             acc, u_s, src_v, dst_v, rows, gsem, ssem):
        c = lax.axis_index("c")
        s = lax.axis_index("s")
        w = _wid()
        pltpu.sync_copy(src_hbm.at[w], src_v)
        pltpu.sync_copy(dst_hbm.at[w], dst_v)
        pltpu.sync_copy(u_hbm.at[pl.ds(s * (N // NS), N // NS)],
                        u_s.at[pl.ds(s * (N // NS), N // NS)])
        base = s * RPT
        for t in range(RPT // IZ):
            pltpu.sync_copy(z_hbm, acc.at[pl.ds(base + t * IZ, IZ)])
        plsc.subcore_barrier()

        pltpu.async_copy(u_s.at[src_v.at[0]], rows[0], gsem[0])

        def halfstep(j, p):
            pltpu.make_async_copy(
                u_s.at[src_v.at[j]], rows[p], gsem[p]).wait()

            @pl.when(j >= 1)
            def _():
                pltpu.make_async_copy(
                    rows[1 - p], acc.at[dst_v.at[j - 1]], ssem[1 - p]).wait()

            pltpu.async_copy(rows[p], acc.at[dst_v.at[j]], ssem[p], add=True)

            @pl.when(j + 1 < K)
            def _():
                pltpu.async_copy(
                    u_s.at[src_v.at[j + 1]], rows[1 - p], gsem[1 - p])

        def step(t, carry):
            halfstep(2 * t, 0)
            halfstep(2 * t + 1, 1)
            return carry

        lax.fori_loop(0, K // 2, step, 0)
        pltpu.make_async_copy(
            rows[1], acc.at[dst_v.at[K - 1]], ssem[1]).wait()
        plsc.subcore_barrier()
        pltpu.sync_copy(acc.at[pl.ds(base, RPT)],
                        out_hbm.at[c].at[pl.ds(base, RPT)])

    return pl.kernel(
        body,
        out_type=jax.ShapeDtypeStruct((NC, R, 64), jnp.float32),
        mesh=_sc_mesh(),
        compiler_params=pltpu.CompilerParams(use_tc_tiling_on_sc=False),
        scratch_types=[
            pltpu.VMEM_SHARED((R, 64), jnp.float32),
            pltpu.VMEM_SHARED((N, 64), jnp.float32),
            pltpu.VMEM((K, CH), jnp.int32),
            pltpu.VMEM((K, CH), jnp.int32),
            [pltpu.VMEM((CH, 64), jnp.float32) for _ in range(2)],
            [pltpu.SemaphoreType.DMA for _ in range(2)],
            [pltpu.SemaphoreType.DMA for _ in range(2)],
        ],
    )(u_tab, src3, dst3, zeros64)


_RB = 1000


def _tc_stage1(x, W1, degs):
    def body(x_ref, w_ref, d_ref, xw_ref, u_ref, dis_ref, inv_ref):
        xw = jnp.dot(x_ref[...], w_ref[...], preferred_element_type=jnp.float32)
        cnt = d_ref[0] + d_ref[1] + 1.0
        dis = lax.rsqrt(cnt)
        inv = 1.0 / cnt
        xw_ref[...] = xw
        u_ref[...] = xw * dis[:, 0:1]
        dis_ref[...] = dis
        inv_ref[...] = inv

    grid = (N // _RB,)
    return pl.pallas_call(
        body,
        grid=grid,
        in_specs=[
            pl.BlockSpec((_RB, 128), lambda i: (i, 0)),
            pl.BlockSpec((128, 64), lambda i: (0, 0)),
            pl.BlockSpec((NC, _RB, 16), lambda i: (0, i, 0)),
        ],
        out_specs=[
            pl.BlockSpec((_RB, 64), lambda i: (i, 0)),
            pl.BlockSpec((_RB, 64), lambda i: (i, 0)),
            pl.BlockSpec((_RB, 16), lambda i: (i, 0)),
            pl.BlockSpec((_RB, 16), lambda i: (i, 0)),
        ],
        out_shape=[
            jax.ShapeDtypeStruct((N, 64), jnp.float32),
            jax.ShapeDtypeStruct((N, 64), jnp.float32),
            jax.ShapeDtypeStruct((N, 16), jnp.float32),
            jax.ShapeDtypeStruct((N, 16), jnp.float32),
        ],
    )(x, W1, degs)


def _tc_stage3(sa, xw, dis, inv, b1):
    def body(a_ref, xw_ref, dis_ref, inv_ref, bias_ref, h_ref, v_ref):
        d = dis_ref[:, 0:1]
        h = d * (a_ref[0] + a_ref[1]) + xw_ref[...] * inv_ref[:, 0:1] \
            + bias_ref[...]
        h_ref[...] = h
        v_ref[...] = h * d

    grid = (N // _RB,)
    return pl.pallas_call(
        body,
        grid=grid,
        in_specs=[
            pl.BlockSpec((NC, _RB, 64), lambda i: (0, i, 0)),
            pl.BlockSpec((_RB, 64), lambda i: (i, 0)),
            pl.BlockSpec((_RB, 16), lambda i: (i, 0)),
            pl.BlockSpec((_RB, 16), lambda i: (i, 0)),
            pl.BlockSpec((1, 64), lambda i: (0, 0)),
        ],
        out_specs=[
            pl.BlockSpec((_RB, 64), lambda i: (i, 0)),
            pl.BlockSpec((_RB, 64), lambda i: (i, 0)),
        ],
        out_shape=[
            jax.ShapeDtypeStruct((N, 64), jnp.float32),
            jax.ShapeDtypeStruct((N, 64), jnp.float32),
        ],
    )(sa, xw, dis, inv, b1)


def _tc_stage5(sb, h, dis, inv, W2, b2, W3, b3, noise):
    def body(a_ref, h_ref, dis_ref, inv_ref, w2_ref, b2_ref,
             w3_ref, b3_ref, n_ref, z_ref):
        g = dis_ref[:, 0:1] * (a_ref[0] + a_ref[1]) \
            + h_ref[...] * inv_ref[:, 0:1]
        mean = jnp.dot(g, w2_ref[...], preferred_element_type=jnp.float32) \
            + b2_ref[...]
        logs = jnp.dot(g, w3_ref[...], preferred_element_type=jnp.float32) \
            + b3_ref[...]
        z_ref[...] = mean + n_ref[...] * jnp.exp(logs)

    grid = (N // _RB,)
    return pl.pallas_call(
        body,
        grid=grid,
        in_specs=[
            pl.BlockSpec((NC, _RB, 64), lambda i: (0, i, 0)),
            pl.BlockSpec((_RB, 64), lambda i: (i, 0)),
            pl.BlockSpec((_RB, 16), lambda i: (i, 0)),
            pl.BlockSpec((_RB, 16), lambda i: (i, 0)),
            pl.BlockSpec((64, 32), lambda i: (0, 0)),
            pl.BlockSpec((1, 32), lambda i: (0, 0)),
            pl.BlockSpec((64, 32), lambda i: (0, 0)),
            pl.BlockSpec((1, 32), lambda i: (0, 0)),
            pl.BlockSpec((_RB, 32), lambda i: (i, 0)),
        ],
        out_specs=pl.BlockSpec((_RB, 32), lambda i: (i, 0)),
        out_shape=jax.ShapeDtypeStruct((N, 32), jnp.float32),
    )(sb, h, dis, inv, W2, b2, W3, b3, noise)


_BM = 1000
_BN = 1024


def _tc_decoder(z):
    def body(zi_ref, zj_ref, o_ref):
        acc = lax.dot_general(
            zi_ref[...], zj_ref[...], (((1,), (1,)), ((), ())),
            preferred_element_type=jnp.float32)
        o_ref[...] = 1.0 / (1.0 + jnp.exp(-acc))

    grid = (N // _BM, pl.cdiv(N, _BN))
    return pl.pallas_call(
        body,
        grid=grid,
        in_specs=[
            pl.BlockSpec((_BM, 32), lambda i, j: (i, 0)),
            pl.BlockSpec((_BN, 32), lambda i, j: (j, 0)),
        ],
        out_specs=pl.BlockSpec((_BM, _BN), lambda i, j: (i, j)),
        out_shape=jax.ShapeDtypeStruct((N, N), jnp.float32),
    )(z, z)


def kernel(features, edge_index, W1, b1, W2, b2, W3, b3, noise):
    ei = edge_index.astype(jnp.int32)
    src3 = ei[0].reshape(NW, K, CH)
    dst3 = ei[1].reshape(NW, K, CH)

    const16 = jnp.concatenate(
        [jnp.ones((CH, 16), jnp.float32), jnp.zeros((IZ, 16), jnp.float32)])
    zeros64 = jnp.zeros((IZ, 64), jnp.float32)

    degs = _sc_degree(dst3, const16)
    xw, u, dis, inv = _tc_stage1(features, W1, degs)
    sa = _sc_scatter64(u, src3, dst3, zeros64)
    h, v = _tc_stage3(sa, xw, dis, inv, b1.reshape(1, 64))
    sb = _sc_scatter64(v, src3, dst3, zeros64)
    z = _tc_stage5(sb, h, dis, inv,
                   W2, b2.reshape(1, 32), W3, b3.reshape(1, 32), noise)
    return _tc_decoder(z)

# --- scband reference (transcript-rebuilt; emitter-appended) ---
"""Pipeline reference for scband-model-2808908611975 (READ-ONLY COPY).

The authoritative reference and input builder live on the scoring server;
editing this copy changes nothing except your own understanding.
"""

import jax, jax.numpy as jnp
import numpy as np

N = 10000
IN_DIM = 128
H1 = 64
H2 = 32
E = 320000


def gcn_conv(x, edge_index, W, b):
    # PyG-style GCNConv: add self-loops, symmetric normalization D^-1/2 (A+I) D^-1/2 X W + b
    num_nodes = x.shape[0]
    loop = jnp.arange(num_nodes, dtype=edge_index.dtype)
    src = jnp.concatenate([edge_index[0], loop])
    dst = jnp.concatenate([edge_index[1], loop])
    deg = jnp.zeros((num_nodes,), x.dtype).at[dst].add(1.0)
    deg_inv_sqrt = jnp.where(deg > 0, 1.0 / jnp.sqrt(deg), 0.0)
    norm = deg_inv_sqrt[src] * deg_inv_sqrt[dst]
    xw = x @ W
    msg = xw[src] * norm[:, None]
    out = jnp.zeros((num_nodes, W.shape[1]), x.dtype).at[dst].add(msg)
    return out + b


def setup_inputs(seed: int = 0) -> dict:
    key = jax.random.key(seed)
    ks = jax.random.split(key, 10)
    features = jax.random.normal(ks[0], (N, IN_DIM), dtype=jnp.float32)
    edge_index = jax.random.randint(ks[1], (2, E), 0, N)
    W1 = jax.random.normal(ks[2], (IN_DIM, H1), dtype=jnp.float32) * (1.0 / np.sqrt(IN_DIM))
    b1 = jnp.zeros((H1,), jnp.float32)
    W2 = jax.random.normal(ks[3], (H1, H2), dtype=jnp.float32) * (1.0 / np.sqrt(H1))
    b2 = jnp.zeros((H2,), jnp.float32)
    W3 = jax.random.normal(ks[4], (H1, H2), dtype=jnp.float32) * (1.0 / np.sqrt(H1))
    b3 = jnp.zeros((H2,), jnp.float32)
    # gaussian reparameterization noise (torch.randn in the original forward)
    noise = jax.random.normal(ks[5], (N, H2), dtype=jnp.float32)
    return {"features": features, "edge_index": edge_index, "W1": W1, "b1": b1,
            "W2": W2, "b2": b2, "W3": W3, "b3": b3, "noise": noise}


def reference(features, edge_index, W1, b1, W2, b2, W3, b3, noise):
    # encoder
    h = gcn_conv(features, edge_index, W1, b1)
    mean = gcn_conv(h, edge_index, W2, b2)
    log_std = gcn_conv(h, edge_index, W3, b3)
    z = mean + noise * jnp.exp(log_std)
    # decoder: dense inner-product adjacency reconstruction
    adj_rec = jax.nn.sigmoid(z @ z.T)
    adj_filter = jnp.nan_to_num(adj_rec, nan=0.0)
    return adj_filter

if __name__ == "__main__":
    import jax
    _d = setup_inputs()
    print(jax.jit(kernel)(*tuple(_d.values())))

</pallas_src>

<mosaic_0001>
#map = affine_map<(d0, d1) -> (0, 0)>
#map1 = affine_map<(d0, d1) -> (0, 0, 0)>
module attributes {stable_mosaic.version = 14 : i64} {
  func.func @body(%arg0: i32, %arg1: i32, %arg2: memref<10000x64xf32, #tpu.memory_space<hbm>>, %arg3: memref<32x80x125xi32, #tpu.memory_space<hbm>>, %arg4: memref<32x80x125xi32, #tpu.memory_space<hbm>>, %arg5: memref<128x64xf32, #tpu.memory_space<hbm>>, %arg6: memref<2x10240x64xf32, #tpu.memory_space<hbm>>, %arg7: memref<10240x64xf32, #tpu.memory_space<vmem_shared>>, %arg8: memref<10000x64xf32, #tpu.memory_space<vmem_shared>>, %arg9: memref<80x125xi32, #tpu.memory_space<vmem>>, %arg10: memref<80x125xi32, #tpu.memory_space<vmem>>, %arg11: memref<125x64xf32, #tpu.memory_space<vmem>>, %arg12: memref<125x64xf32, #tpu.memory_space<vmem>>, %arg13: memref<!tpu.dma_semaphore, #tpu.memory_space<semaphore_mem>>, %arg14: memref<!tpu.dma_semaphore, #tpu.memory_space<semaphore_mem>>, %arg15: memref<!tpu.dma_semaphore, #tpu.memory_space<semaphore_mem>>, %arg16: memref<!tpu.dma_semaphore, #tpu.memory_space<semaphore_mem>>) attributes {dimension_semantics = [#tpu.dimension_semantics<core_parallel>, #tpu.dimension_semantics<subcore_parallel>], iteration_bounds = array<i64: 2, 16>, scalar_prefetch = 0 : i64, scratch_operands = 10 : i64, tpu.core_type = #tpu.core_type<sc_vector_subcore>, window_params = [{transform_indices = #map}, {transform_indices = #map1}, {transform_indices = #map1}, {transform_indices = #map}, {transform_indices = #map1}]} {
    %mul3A = arith.constant 16 : i32
    %mul3A_0 = arith.muli %arg0, %mul3A : i32
    %add3A = arith.addi %mul3A_0, %arg1 : i32
    "tpu.region"() ({
      %run_scoped3A = tpu.sem_alloc : memref<!tpu.dma_semaphore, #tpu.memory_space<semaphore_mem>>
      %dma_start3A_35 = arith.constant 0 : i32
      %dma_start3A_36 = arith.constant 0 : i32
      %dma_start3A_37 = tpu.memref_slice %arg3[%add3A, %dma_start3A_35, %dma_start3A_36] : memref<32x80x125xi32, #tpu.memory_space<hbm>> -> memref<1x80x125xi32, #tpu.memory_space<hbm>>
      %dma_start3A_38 = tpu.memref_squeeze %dma_start3A_37 : memref<1x80x125xi32, #tpu.memory_space<hbm>> -> memref<80x125xi32, #tpu.memory_space<hbm>>
      %dma_start3A_39 = arith.constant 0 : i32
      %dma_start3A_40 = arith.constant 0 : i32
      %dma_start3A_41 = tpu.memref_slice %arg3[%add3A, %dma_start3A_39, %dma_start3A_40] : memref<32x80x125xi32, #tpu.memory_space<hbm>> -> memref<1x80x125xi32, #tpu.memory_space<hbm>>
      %dma_start3A_42 = tpu.memref_squeeze %dma_start3A_41 : memref<1x80x125xi32, #tpu.memory_space<hbm>> -> memref<80x125xi32, #tpu.memory_space<hbm>>
      tpu.enqueue_dma source(%dma_start3A_42 : memref<80x125xi32, #tpu.memory_space<hbm>>) target(%arg9 : memref<80x125xi32, #tpu.memory_space<vmem>>) target_semaphore(%run_scoped3A : memref<!tpu.dma_semaphore, #tpu.memory_space<semaphore_mem>>)
      %dma_wait3A_43 = arith.constant 0 : i32
      %dma_wait3A_44 = arith.constant 0 : i32
      %dma_wait3A_45 = tpu.memref_slice %arg3[%add3A, %dma_wait3A_43, %dma_wait3A_44] : memref<32x80x125xi32, #tpu.memory_space<hbm>> -> memref<1x80x125xi32, #tpu.memory_space<hbm>>
      %dma_wait3A_46 = tpu.memref_squeeze %dma_wait3A_45 : memref<1x80x125xi32, #tpu.memory_space<hbm>> -> memref<80x125xi32, #tpu.memory_space<hbm>>
      %dma_wait3A_47 = arith.constant 0 : i32
      %dma_wait3A_48 = arith.constant 0 : i32
      %dma_wait3A_49 = tpu.memref_slice %arg3[%add3A, %dma_wait3A_47, %dma_wait3A_48] : memref<32x80x125xi32, #tpu.memory_space<hbm>> -> memref<1x80x125xi32, #tpu.memory_space<hbm>>
      %dma_wait3A_50 = tpu.memref_squeeze %dma_wait3A_49 : memref<1x80x125xi32, #tpu.memory_space<hbm>> -> memref<80x125xi32, #tpu.memory_space<hbm>>
      tpu.wait_dma2 semaphore(%run_scoped3A : memref<!tpu.dma_semaphore, #tpu.memory_space<semaphore_mem>>) src(%dma_wait3A_50 : memref<80x125xi32, #tpu.memory_space<hbm>>) dst(%arg9 : memref<80x125xi32, #tpu.memory_space<vmem>>)
      tpu.yield
    }) : () -> ()
    "tpu.region"() ({
      %run_scoped3A = tpu.sem_alloc : memref<!tpu.dma_semaphore, #tpu.memory_space<semaphore_mem>>
      %dma_start3A_35 = arith.constant 0 : i32
      %dma_start3A_36 = arith.constant 0 : i32
      %dma_start3A_37 = tpu.memref_slice %arg4[%add3A, %dma_start3A_35, %dma_start3A_36] : memref<32x80x125xi32, #tpu.memory_space<hbm>> -> memref<1x80x125xi32, #tpu.memory_space<hbm>>
      %dma_start3A_38 = tpu.memref_squeeze %dma_start3A_37 : memref<1x80x125xi32, #tpu.memory_space<hbm>> -> memref<80x125xi32, #tpu.memory_space<hbm>>
      %dma_start3A_39 = arith.constant 0 : i32
      %dma_start3A_40 = arith.constant 0 : i32
      %dma_start3A_41 = tpu.memref_slice %arg4[%add3A, %dma_start3A_39, %dma_start3A_40] : memref<32x80x125xi32, #tpu.memory_space<hbm>> -> memref<1x80x125xi32, #tpu.memory_space<hbm>>
      %dma_start3A_42 = tpu.memref_squeeze %dma_start3A_41 : memref<1x80x125xi32, #tpu.memory_space<hbm>> -> memref<80x125xi32, #tpu.memory_space<hbm>>
      tpu.enqueue_dma source(%dma_start3A_42 : memref<80x125xi32, #tpu.memory_space<hbm>>) target(%arg10 : memref<80x125xi32, #tpu.memory_space<vmem>>) target_semaphore(%run_scoped3A : memref<!tpu.dma_semaphore, #tpu.memory_space<semaphore_mem>>)
      %dma_wait3A_43 = arith.constant 0 : i32
      %dma_wait3A_44 = arith.constant 0 : i32
      %dma_wait3A_45 = tpu.memref_slice %arg4[%add3A, %dma_wait3A_43, %dma_wait3A_44] : memref<32x80x125xi32, #tpu.memory_space<hbm>> -> memref<1x80x125xi32, #tpu.memory_space<hbm>>
      %dma_wait3A_46 = tpu.memref_squeeze %dma_wait3A_45 : memref<1x80x125xi32, #tpu.memory_space<hbm>> -> memref<80x125xi32, #tpu.memory_space<hbm>>
      %dma_wait3A_47 = arith.constant 0 : i32
      %dma_wait3A_48 = arith.constant 0 : i32
      %dma_wait3A_49 = tpu.memref_slice %arg4[%add3A, %dma_wait3A_47, %dma_wait3A_48] : memref<32x80x125xi32, #tpu.memory_space<hbm>> -> memref<1x80x125xi32, #tpu.memory_space<hbm>>
      %dma_wait3A_50 = tpu.memref_squeeze %dma_wait3A_49 : memref<1x80x125xi32, #tpu.memory_space<hbm>> -> memref<80x125xi32, #tpu.memory_space<hbm>>
      tpu.wait_dma2 semaphore(%run_scoped3A : memref<!tpu.dma_semaphore, #tpu.memory_space<semaphore_mem>>) src(%dma_wait3A_50 : memref<80x125xi32, #tpu.memory_space<hbm>>) dst(%arg10 : memref<80x125xi32, #tpu.memory_space<vmem>>)
      tpu.yield
    }) : () -> ()
    %mul3A_1 = arith.constant 625 : i32
    %mul3A_2 = arith.muli %arg1, %mul3A_1 : i32
    %mul3A_3 = arith.constant 625 : i32
    %mul3A_4 = arith.muli %arg1, %mul3A_3 : i32
    "tpu.region"() ({
      %run_scoped3A = tpu.sem_alloc : memref<!tpu.dma_semaphore, #tpu.memory_space<semaphore_mem>>
      %dma_start3A_35 = arith.constant 0 : i32
      %dma_start3A_36 = tpu.memref_slice %arg8[%mul3A_4, %dma_start3A_35] : memref<10000x64xf32, #tpu.memory_space<vmem_shared>> -> memref<625x64xf32, #tpu.memory_space<vmem_shared>>
      %dma_start3A_37 = arith.constant 0 : i32
      %dma_start3A_38 = tpu.memref_slice %arg2[%mul3A_2, %dma_start3A_37] : memref<10000x64xf32, #tpu.memory_space<hbm>> -> memref<625x64xf32, #tpu.memory_space<hbm>>
      tpu.enqueue_dma source(%dma_start3A_38 : memref<625x64xf32, #tpu.memory_space<hbm>>) target(%dma_start3A_36 : memref<625x64xf32, #tpu.memory_space<vmem_shared>>) target_semaphore(%run_scoped3A : memref<!tpu.dma_semaphore, #tpu.memory_space<semaphore_mem>>)
      %dma_wait3A_39 = arith.constant 0 : i32
      %dma_wait3A_40 = tpu.memref_slice %arg8[%mul3A_4, %dma_wait3A_39] : memref<10000x64xf32, #tpu.memory_space<vmem_shared>> -> memref<625x64xf32, #tpu.memory_space<vmem_shared>>
      %dma_wait3A_41 = arith.constant 0 : i32
      %dma_wait3A_42 = tpu.memref_slice %arg2[%mul3A_2, %dma_wait3A_41] : memref<10000x64xf32, #tpu.memory_space<hbm>> -> memref<625x64xf32, #tpu.memory_space<hbm>>
      tpu.wait_dma2 semaphore(%run_scoped3A : memref<!tpu.dma_semaphore, #tpu.memory_space<semaphore_mem>>) src(%dma_wait3A_42 : memref<625x64xf32, #tpu.memory_space<hbm>>) dst(%dma_wait3A_40 : memref<625x64xf32, #tpu.memory_space<vmem_shared>>)
      tpu.yield
    }) : () -> ()
    %mul3A_5 = arith.constant 640 : i32
    %mul3A_6 = arith.muli %arg1, %mul3A_5 : i32
    %add3A_7 = arith.constant 0 : i32
    %add3A_8 = arith.addi %mul3A_6, %add3A_7 : i32
    "tpu.region"() ({
      %run_scoped3A = tpu.sem_alloc : memref<!tpu.dma_semaphore, #tpu.memory_space<semaphore_mem>>
      %dma_start3A_35 = arith.constant 0 : i32
      %dma_start3A_36 = tpu.memref_slice %arg7[%add3A_8, %dma_start3A_35] : memref<10240x64xf32, #tpu.memory_space<vmem_shared>> -> memref<128x64xf32, #tpu.memory_space<vmem_shared>>
      tpu.enqueue_dma source(%arg5 : memref<128x64xf32, #tpu.memory_space<hbm>>) target(%dma_start3A_36 : memref<128x64xf32, #tpu.memory_space<vmem_shared>>) target_semaphore(%run_scoped3A : memref<!tpu.dma_semaphore, #tpu.memory_space<semaphore_mem>>)
      %dma_wait3A_37 = arith.constant 0 : i32
      %dma_wait3A_38 = tpu.memref_slice %arg7[%add3A_8, %dma_wait3A_37] : memref<10240x64xf32, #tpu.memory_space<vmem_shared>> -> memref<128x64xf32, #tpu.memory_space<vmem_shared>>
      tpu.wait_dma2 semaphore(%run_scoped3A : memref<!tpu.dma_semaphore, #tpu.memory_space<semaphore_mem>>) src(%arg5 : memref<128x64xf32, #tpu.memory_space<hbm>>) dst(%dma_wait3A_38 : memref<128x64xf32, #tpu.memory_space<vmem_shared>>)
      tpu.yield
    }) : () -> ()
    %add3A_9 = arith.constant 128 : i32
    %add3A_10 = arith.addi %mul3A_6, %add3A_9 : i32
    "tpu.region"() ({
      %run_scoped3A = tpu.sem_alloc : memref<!tpu.dma_semaphore, #tpu.memory_space<semaphore_mem>>
      %dma_start3A_35 = arith.constant 0 : i32
      %dma_start3A_36 = tpu.memref_slice %arg7[%add3A_10, %dma_start3A_35] : memref<10240x64xf32, #tpu.memory_space<vmem_shared>> -> memref<128x64xf32, #tpu.memory_space<vmem_shared>>
      tpu.enqueue_dma source(%arg5 : memref<128x64xf32, #tpu.memory_space<hbm>>) target(%dma_start3A_36 : memref<128x64xf32, #tpu.memory_space<vmem_shared>>) target_semaphore(%run_scoped3A : memref<!tpu.dma_semaphore, #tpu.memory_space<semaphore_mem>>)
      %dma_wait3A_37 = arith.constant 0 : i32
      %dma_wait3A_38 = tpu.memref_slice %arg7[%add3A_10, %dma_wait3A_37] : memref<10240x64xf32, #tpu.memory_space<vmem_shared>> -> memref<128x64xf32, #tpu.memory_space<vmem_shared>>
      tpu.wait_dma2 semaphore(%run_scoped3A : memref<!tpu.dma_semaphore, #tpu.memory_space<semaphore_mem>>) src(%arg5 : memref<128x64xf32, #tpu.memory_space<hbm>>) dst(%dma_wait3A_38 : memref<128x64xf32, #tpu.memory_space<vmem_shared>>)
      tpu.yield
    }) : () -> ()
    %add3A_11 = arith.constant 256 : i32
    %add3A_12 = arith.addi %mul3A_6, %add3A_11 : i32
    "tpu.region"() ({
      %run_scoped3A = tpu.sem_alloc : memref<!tpu.dma_semaphore, #tpu.memory_space<semaphore_mem>>
      %dma_start3A_35 = arith.constant 0 : i32
      %dma_start3A_36 = tpu.memref_slice %arg7[%add3A_12, %dma_start3A_35] : memref<10240x64xf32, #tpu.memory_space<vmem_shared>> -> memref<128x64xf32, #tpu.memory_space<vmem_shared>>
      tpu.enqueue_dma source(%arg5 : memref<128x64xf32, #tpu.memory_space<hbm>>) target(%dma_start3A_36 : memref<128x64xf32, #tpu.memory_space<vmem_shared>>) target_semaphore(%run_scoped3A : memref<!tpu.dma_semaphore, #tpu.memory_space<semaphore_mem>>)
      %dma_wait3A_37 = arith.constant 0 : i32
      %dma_wait3A_38 = tpu.memref_slice %arg7[%add3A_12, %dma_wait3A_37] : memref<10240x64xf32, #tpu.memory_space<vmem_shared>> -> memref<128x64xf32, #tpu.memory_space<vmem_shared>>
      tpu.wait_dma2 semaphore(%run_scoped3A : memref<!tpu.dma_semaphore, #tpu.memory_space<semaphore_mem>>) src(%arg5 : memref<128x64xf32, #tpu.memory_space<hbm>>) dst(%dma_wait3A_38 : memref<128x64xf32, #tpu.memory_space<vmem_shared>>)
      tpu.yield
    }) : () -> ()
    %add3A_13 = arith.constant 384 : i32
    %add3A_14 = arith.addi %mul3A_6, %add3A_13 : i32
    "tpu.region"() ({
      %run_scoped3A = tpu.sem_alloc : memref<!tpu.dma_semaphore, #tpu.memory_space<semaphore_mem>>
      %dma_start3A_35 = arith.constant 0 : i32
      %dma_start3A_36 = tpu.memref_slice %arg7[%add3A_14, %dma_start3A_35] : memref<10240x64xf32, #tpu.memory_space<vmem_shared>> -> memref<128x64xf32, #tpu.memory_space<vmem_shared>>
      tpu.enqueue_dma source(%arg5 : memref<128x64xf32, #tpu.memory_space<hbm>>) target(%dma_start3A_36 : memref<128x64xf32, #tpu.memory_space<vmem_shared>>) target_semaphore(%run_scoped3A : memref<!tpu.dma_semaphore, #tpu.memory_space<semaphore_mem>>)
      %dma_wait3A_37 = arith.constant 0 : i32
      %dma_wait3A_38 = tpu.memref_slice %arg7[%add3A_14, %dma_wait3A_37] : memref<10240x64xf32, #tpu.memory_space<vmem_shared>> -> memref<128x64xf32, #tpu.memory_space<vmem_shared>>
      tpu.wait_dma2 semaphore(%run_scoped3A : memref<!tpu.dma_semaphore, #tpu.memory_space<semaphore_mem>>) src(%arg5 : memref<128x64xf32, #tpu.memory_space<hbm>>) dst(%dma_wait3A_38 : memref<128x64xf32, #tpu.memory_space<vmem_shared>>)
      tpu.yield
    }) : () -> ()
    %add3A_15 = arith.constant 512 : i32
    %add3A_16 = arith.addi %mul3A_6, %add3A_15 : i32
    "tpu.region"() ({
      %run_scoped3A = tpu.sem_alloc : memref<!tpu.dma_semaphore, #tpu.memory_space<semaphore_mem>>
      %dma_start3A_35 = arith.constant 0 : i32
      %dma_start3A_36 = tpu.memref_slice %arg7[%add3A_16, %dma_start3A_35] : memref<10240x64xf32, #tpu.memory_space<vmem_shared>> -> memref<128x64xf32, #tpu.memory_space<vmem_shared>>
      tpu.enqueue_dma source(%arg5 : memref<128x64xf32, #tpu.memory_space<hbm>>) target(%dma_start3A_36 : memref<128x64xf32, #tpu.memory_space<vmem_shared>>) target_semaphore(%run_scoped3A : memref<!tpu.dma_semaphore, #tpu.memory_space<semaphore_mem>>)
      %dma_wait3A_37 = arith.constant 0 : i32
      %dma_wait3A_38 = tpu.memref_slice %arg7[%add3A_16, %dma_wait3A_37] : memref<10240x64xf32, #tpu.memory_space<vmem_shared>> -> memref<128x64xf32, #tpu.memory_space<vmem_shared>>
      tpu.wait_dma2 semaphore(%run_scoped3A : memref<!tpu.dma_semaphore, #tpu.memory_space<semaphore_mem>>) src(%arg5 : memref<128x64xf32, #tpu.memory_space<hbm>>) dst(%dma_wait3A_38 : memref<128x64xf32, #tpu.memory_space<vmem_shared>>)
      tpu.yield
    }) : () -> ()
    %barrier3A = arith.constant 0 : index
    tpu.barrier barrier_id(%barrier3A)
    %dma_start3A = arith.constant 0 : i32
    %dma_start3A_17 = arith.constant 0 : i32
    %dma_start3A_18 = tpu.memref_slice %arg9[%dma_start3A, %dma_start3A_17] : memref<80x125xi32, #tpu.memory_space<vmem>> -> memref<1x125xi32, #tpu.memory_space<vmem>>
    %dma_start3A_19 = tpu.memref_squeeze %dma_start3A_18 : memref<1x125xi32, #tpu.memory_space<vmem>> -> memref<125xi32, #tpu.memory_space<vmem>>
    %dma_start3A_20 = arith.constant 0 : i32
    %dma_start3A_21 = arith.constant 0 : i32
    %dma_start3A_22 = tpu.memref_slice %arg8[%dma_start3A_20, %dma_start3A_21] : memref<10000x64xf32, #tpu.memory_space<vmem_shared>> -> memref<10000x64xf32, #tpu.memory_space<vmem_shared>>
    tpu.enqueue_indirect_dma source(%dma_start3A_22 : memref<10000x64xf32, #tpu.memory_space<vmem_shared>>) target(%arg11 : memref<125x64xf32, #tpu.memory_space<vmem>>) offsets(%dma_start3A_19 : memref<125xi32, #tpu.memory_space<vmem>>) semaphore(%arg13 : memref<!tpu.dma_semaphore, #tpu.memory_space<semaphore_mem>>)
    %scan3A = arith.constant 0 : i32
    %scan3A_23 = arith.constant 0 : i32
    %scan3A_24 = arith.constant 40 : i32
    %scan3A_25 = arith.addi %scan3A_23, %scan3A_24 : i32
    %scan3A_26 = arith.constant 1 : i32
    scf.for %scan3A_35 = %scan3A_23 to %scan3A_25 step %scan3A_26  : i32 {
      %mul3A_36 = arith.constant 2 : i32
      %mul3A_37 = arith.muli %mul3A_36, %scan3A_35 : i32
      %dma_wait3A_38 = arith.constant 0 : i32
      %dma_wait3A_39 = tpu.memref_slice %arg9[%mul3A_37, %dma_wait3A_38] : memref<80x125xi32, #tpu.memory_space<vmem>> -> memref<1x125xi32, #tpu.memory_space<vmem>>
      %dma_wait3A_40 = tpu.memref_squeeze %dma_wait3A_39 : memref<1x125xi32, #tpu.memory_space<vmem>> -> memref<125xi32, #tpu.memory_space<vmem>>
      %dma_wait3A_41 = arith.constant 0 : i32
      %dma_wait3A_42 = arith.constant 0 : i32
      %dma_wait3A_43 = tpu.memref_slice %arg8[%dma_wait3A_41, %dma_wait3A_42] : memref<10000x64xf32, #tpu.memory_space<vmem_shared>> -> memref<10000x64xf32, #tpu.memory_space<vmem_shared>>
      tpu.wait_indirect_dma semaphore(%arg13 : memref<!tpu.dma_semaphore, #tpu.memory_space<semaphore_mem>>) src(%dma_wait3A_43 : memref<10000x64xf32, #tpu.memory_space<vmem_shared>>) dst(%arg11 : memref<125x64xf32, #tpu.memory_space<vmem>>)
      %ge3A = arith.constant 1 : i32
      %ge3A_44 = arith.cmpi sge, %mul3A_37, %ge3A : i32
      %convert_element_type3A = arith.extui %ge3A_44 : i1 to i32
      %cond3A = arith.constant 0 : i32
      %cond3A_45 = arith.cmpi ne, %convert_element_type3A, %cond3A : i32
      scf.if %cond3A_45 {
        %sub3A = arith.constant 1 : i32
        %sub3A_86 = arith.subi %mul3A_37, %sub3A : i32
        %dma_wait3A_87 = arith.constant 0 : i32
        %dma_wait3A_88 = tpu.memref_slice %arg10[%sub3A_86, %dma_wait3A_87] : memref<80x125xi32, #tpu.memory_space<vmem>> -> memref<1x125xi32, #tpu.memory_space<vmem>>
        %dma_wait3A_89 = tpu.memref_squeeze %dma_wait3A_88 : memref<1x125xi32, #tpu.memory_space<vmem>> -> memref<125xi32, #tpu.memory_space<vmem>>
        %dma_wait3A_90 = arith.constant 0 : i32
        %dma_wait3A_91 = arith.constant 0 : i32
        %dma_wait3A_92 = tpu.memref_slice %arg7[%dma_wait3A_90, %dma_wait3A_91] : memref<10240x64xf32, #tpu.memory_space<vmem_shared>> -> memref<10240x64xf32, #tpu.memory_space<vmem_shared>>
        tpu.wait_indirect_dma semaphore(%arg16 : memref<!tpu.dma_semaphore, #tpu.memory_space<semaphore_mem>>) src(%arg12 : memref<125x64xf32, #tpu.memory_space<vmem>>) dst(%dma_wait3A_92 : memref<10240x64xf32, #tpu.memory_space<vmem_shared>>)
      } else {
      }
      %dma_start3A_46 = arith.constant 0 : i32
      %dma_start3A_47 = tpu.memref_slice %arg10[%mul3A_37, %dma_start3A_46] : memref<80x125xi32, #tpu.memory_space<vmem>> -> memref<1x125xi32, #tpu.memory_space<vmem>>
      %dma_start3A_48 = tpu.memref_squeeze %dma_start3A_47 : memref<1x125xi32, #tpu.memory_space<vmem>> -> memref<125xi32, #tpu.memory_space<vmem>>
      %dma_start3A_49 = arith.constant 0 : i32
      %dma_start3A_50 = arith.constant 0 : i32
      %dma_start3A_51 = tpu.memref_slice %arg7[%dma_start3A_49, %dma_start3A_50] : memref<10240x64xf32, #tpu.memory_space<vmem_shared>> -> memref<10240x64xf32, #tpu.memory_space<vmem_shared>>
      tpu.enqueue_indirect_dma source(%arg11 : memref<125x64xf32, #tpu.memory_space<vmem>>) target(%dma_start3A_51 : memref<10240x64xf32, #tpu.memory_space<vmem_shared>>) offsets(%dma_start3A_48 : memref<125xi32, #tpu.memory_space<vmem>>) semaphore(%arg15 : memref<!tpu.dma_semaphore, #tpu.memory_space<semaphore_mem>>) {add = true}
      %add3A_52 = arith.constant 1 : i32
      %add3A_53 = arith.addi %mul3A_37, %add3A_52 : i32
      %lt3A = arith.constant 80 : i32
      %lt3A_54 = arith.cmpi slt, %add3A_53, %lt3A : i32
      %convert_element_type3A_55 = arith.extui %lt3A_54 : i1 to i32
      %cond3A_56 = arith.constant 0 : i32
      %cond3A_57 = arith.cmpi ne, %convert_element_type3A_55, %cond3A_56 : i32
      scf.if %cond3A_57 {
        %add3A_86 = arith.constant 1 : i32
        %add3A_87 = arith.addi %mul3A_37, %add3A_86 : i32
        %dma_start3A_88 = arith.constant 0 : i32
        %dma_start3A_89 = tpu.memref_slice %arg9[%add3A_87, %dma_start3A_88] : memref<80x125xi32, #tpu.memory_space<vmem>> -> memref<1x125xi32, #tpu.memory_space<vmem>>
        %dma_start3A_90 = tpu.memref_squeeze %dma_start3A_89 : memref<1x125xi32, #tpu.memory_space<vmem>> -> memref<125xi32, #tpu.memory_space<vmem>>
        %dma_start3A_91 = arith.constant 0 : i32
        %dma_start3A_92 = arith.constant 0 : i32
        %dma_start3A_93 = tpu.memref_slice %arg8[%dma_start3A_91, %dma_start3A_92] : memref<10000x64xf32, #tpu.memory_space<vmem_shared>> -> memref<10000x64xf32, #tpu.memory_space<vmem_shared>>
        tpu.enqueue_indirect_dma source(%dma_start3A_93 : memref<10000x64xf32, #tpu.memory_space<vmem_shared>>) target(%arg12 : memref<125x64xf32, #tpu.memory_space<vmem>>) offsets(%dma_start3A_90 : memref<125xi32, #tpu.memory_space<vmem>>) semaphore(%arg14 : memref<!tpu.dma_semaphore, #tpu.memory_space<semaphore_mem>>)
      } else {
      }
      %mul3A_58 = arith.constant 2 : i32
      %mul3A_59 = arith.muli %mul3A_58, %scan3A_35 : i32
      %add3A_60 = arith.constant 1 : i32
      %add3A_61 = arith.addi %mul3A_59, %add3A_60 : i32
      %dma_wait3A_62 = arith.constant 0 : i32
      %dma_wait3A_63 = tpu.memref_slice %arg9[%add3A_61, %dma_wait3A_62] : memref<80x125xi32, #tpu.memory_space<vmem>> -> memref<1x125xi32, #tpu.memory_space<vmem>>
      %dma_wait3A_64 = tpu.memref_squeeze %dma_wait3A_63 : memref<1x125xi32, #tpu.memory_space<vmem>> -> memref<125xi32, #tpu.memory_space<vmem>>
      %dma_wait3A_65 = arith.constant 0 : i32
      %dma_wait3A_66 = arith.constant 0 : i32
      %dma_wait3A_67 = tpu.memref_slice %arg8[%dma_wait3A_65, %dma_wait3A_66] : memref<10000x64xf32, #tpu.memory_space<vmem_shared>> -> memref<10000x64xf32, #tpu.memory_space<vmem_shared>>
      tpu.wait_indirect_dma semaphore(%arg14 : memref<!tpu.dma_semaphore, #tpu.memory_space<semaphore_mem>>) src(%dma_wait3A_67 : memref<10000x64xf32, #tpu.memory_space<vmem_shared>>) dst(%arg12 : memref<125x64xf32, #tpu.memory_space<vmem>>)
      %ge3A_68 = arith.constant 1 : i32
      %ge3A_69 = arith.cmpi sge, %add3A_61, %ge3A_68 : i32
      %convert_element_type3A_70 = arith.extui %ge3A_69 : i1 to i32
      %cond3A_71 = arith.constant 0 : i32
      %cond3A_72 = arith.cmpi ne, %convert_element_type3A_70, %cond3A_71 : i32
      scf.if %cond3A_72 {
        %sub3A = arith.constant 1 : i32
        %sub3A_86 = arith.subi %add3A_61, %sub3A : i32
        %dma_wait3A_87 = arith.constant 0 : i32
        %dma_wait3A_88 = tpu.memref_slice %arg10[%sub3A_86, %dma_wait3A_87] : memref<80x125xi32, #tpu.memory_space<vmem>> -> memref<1x125xi32, #tpu.memory_space<vmem>>
        %dma_wait3A_89 = tpu.memref_squeeze %dma_wait3A_88 : memref<1x125xi32, #tpu.memory_space<vmem>> -> memref<125xi32, #tpu.memory_space<vmem>>
        %dma_wait3A_90 = arith.constant 0 : i32
        %dma_wait3A_91 = arith.constant 0 : i32
        %dma_wait3A_92 = tpu.memref_slice %arg7[%dma_wait3A_90, %dma_wait3A_91] : memref<10240x64xf32, #tpu.memory_space<vmem_shared>> -> memref<10240x64xf32, #tpu.memory_space<vmem_shared>>
        tpu.wait_indirect_dma semaphore(%arg15 : memref<!tpu.dma_semaphore, #tpu.memory_space<semaphore_mem>>) src(%arg11 : memref<125x64xf32, #tpu.memory_space<vmem>>) dst(%dma_wait3A_92 : memref<10240x64xf32, #tpu.memory_space<vmem_shared>>)
      } else {
      }
      %dma_start3A_73 = arith.constant 0 : i32
      %dma_start3A_74 = tpu.memref_slice %arg10[%add3A_61, %dma_start3A_73] : memref<80x125xi32, #tpu.memory_space<vmem>> -> memref<1x125xi32, #tpu.memory_space<vmem>>
      %dma_start3A_75 = tpu.memref_squeeze %dma_start3A_74 : memref<1x125xi32, #tpu.memory_space<vmem>> -> memref<125xi32, #tpu.memory_space<vmem>>
      %dma_start3A_76 = arith.constant 0 : i32
      %dma_start3A_77 = arith.constant 0 : i32
      %dma_start3A_78 = tpu.memref_slice %arg7[%dma_start3A_76, %dma_start3A_77] : memref<10240x64xf32, #tpu.memory_space<vmem_shared>> -> memref<10240x64xf32, #tpu.memory_space<vmem_shared>>
      tpu.enqueue_indirect_dma source(%arg12 : memref<125x64xf32, #tpu.memory_space<vmem>>) target(%dma_start3A_78 : memref<10240x64xf32, #tpu.memory_space<vmem_shared>>) offsets(%dma_start3A_75 : memref<125xi32, #tpu.memory_space<vmem>>) semaphore(%arg16 : memref<!tpu.dma_semaphore, #tpu.memory_space<semaphore_mem>>) {add = true}
      %add3A_79 = arith.constant 1 : i32
      %add3A_80 = arith.addi %add3A_61, %add3A_79 : i32
      %lt3A_81 = arith.constant 80 : i32
      %lt3A_82 = arith.cmpi slt, %add3A_80, %lt3A_81 : i32
      %convert_element_type3A_83 = arith.extui %lt3A_82 : i1 to i32
      %cond3A_84 = arith.constant 0 : i32
      %cond3A_85 = arith.cmpi ne, %convert_element_type3A_83, %cond3A_84 : i32
      scf.if %cond3A_85 {
        %add3A_86 = arith.constant 1 : i32
        %add3A_87 = arith.addi %add3A_61, %add3A_86 : i32
        %dma_start3A_88 = arith.constant 0 : i32
        %dma_start3A_89 = tpu.memref_slice %arg9[%add3A_87, %dma_start3A_88] : memref<80x125xi32, #tpu.memory_space<vmem>> -> memref<1x125xi32, #tpu.memory_space<vmem>>
        %dma_start3A_90 = tpu.memref_squeeze %dma_start3A_89 : memref<1x125xi32, #tpu.memory_space<vmem>> -> memref<125xi32, #tpu.memory_space<vmem>>
        %dma_start3A_91 = arith.constant 0 : i32
        %dma_start3A_92 = arith.constant 0 : i32
        %dma_start3A_93 = tpu.memref_slice %arg8[%dma_start3A_91, %dma_start3A_92] : memref<10000x64xf32, #tpu.memory_space<vmem_shared>> -> memref<10000x64xf32, #tpu.memory_space<vmem_shared>>
        tpu.enqueue_indirect_dma source(%dma_start3A_93 : memref<10000x64xf32, #tpu.memory_space<vmem_shared>>) target(%arg11 : memref<125x64xf32, #tpu.memory_space<vmem>>) offsets(%dma_start3A_90 : memref<125xi32, #tpu.memory_space<vmem>>) semaphore(%arg13 : memref<!tpu.dma_semaphore, #tpu.memory_space<semaphore_mem>>)
      } else {
      }
    }
    %scan3A_27 = arith.constant 40 : i32
    %dma_wait3A = arith.constant 79 : i32
    %dma_wait3A_28 = arith.constant 0 : i32
    %dma_wait3A_29 = tpu.memref_slice %arg10[%dma_wait3A, %dma_wait3A_28] : memref<80x125xi32, #tpu.memory_space<vmem>> -> memref<1x125xi32, #tpu.memory_space<vmem>>
    %dma_wait3A_30 = tpu.memref_squeeze %dma_wait3A_29 : memref<1x125xi32, #tpu.memory_space<vmem>> -> memref<125xi32, #tpu.memory_space<vmem>>
    %dma_wait3A_31 = arith.constant 0 : i32
    %dma_wait3A_32 = arith.constant 0 : i32
    %dma_wait3A_33 = tpu.memref_slice %arg7[%dma_wait3A_31, %dma_wait3A_32] : memref<10240x64xf32, #tpu.memory_space<vmem_shared>> -> memref<10240x64xf32, #tpu.memory_space<vmem_shared>>
    tpu.wait_indirect_dma semaphore(%arg16 : memref<!tpu.dma_semaphore, #tpu.memory_space<semaphore_mem>>) src(%arg12 : memref<125x64xf32, #tpu.memory_space<vmem>>) dst(%dma_wait3A_33 : memref<10240x64xf32, #tpu.memory_space<vmem_shared>>)
    %barrier3A_34 = arith.constant 0 : index
    tpu.barrier barrier_id(%barrier3A_34)
    "tpu.region"() ({
      %run_scoped3A = tpu.sem_alloc : memref<!tpu.dma_semaphore, #tpu.memory_space<semaphore_mem>>
      %dma_start3A_35 = arith.constant 0 : i32
      %dma_start3A_36 = arith.constant 0 : i32
      %dma_start3A_37 = tpu.memref_slice %arg6[%arg0, %dma_start3A_35, %dma_start3A_36] : memref<2x10240x64xf32, #tpu.memory_space<hbm>> -> memref<1x10240x64xf32, #tpu.memory_space<hbm>>
      %dma_start3A_38 = tpu.memref_squeeze %dma_start3A_37 : memref<1x10240x64xf32, #tpu.memory_space<hbm>> -> memref<10240x64xf32, #tpu.memory_space<hbm>>
      %dma_start3A_39 = arith.constant 0 : i32
      %dma_start3A_40 = tpu.memref_slice %dma_start3A_38[%mul3A_6, %dma_start3A_39] : memref<10240x64xf32, #tpu.memory_space<hbm>> -> memref<640x64xf32, #tpu.memory_space<hbm>>
      %dma_start3A_41 = arith.constant 0 : i32
      %dma_start3A_42 = tpu.memref_slice %arg7[%mul3A_6, %dma_start3A_41] : memref<10240x64xf32, #tpu.memory_space<vmem_shared>> -> memref<640x64xf32, #tpu.memory_space<vmem_shared>>
      tpu.enqueue_dma source(%dma_start3A_42 : memref<640x64xf32, #tpu.memory_space<vmem_shared>>) target(%dma_start3A_40 : memref<640x64xf32, #tpu.memory_space<hbm>>) target_semaphore(%run_scoped3A : memref<!tpu.dma_semaphore, #tpu.memory_space<semaphore_mem>>)
      %dma_wait3A_43 = arith.constant 0 : i32
      %dma_wait3A_44 = arith.constant 0 : i32
      %dma_wait3A_45 = tpu.memref_slice %arg6[%arg0, %dma_wait3A_43, %dma_wait3A_44] : memref<2x10240x64xf32, #tpu.memory_space<hbm>> -> memref<1x10240x64xf32, #tpu.memory_space<hbm>>
      %dma_wait3A_46 = tpu.memref_squeeze %dma_wait3A_45 : memref<1x10240x64xf32, #tpu.memory_space<hbm>> -> memref<10240x64xf32, #tpu.memory_space<hbm>>
      %dma_wait3A_47 = arith.constant 0 : i32
      %dma_wait3A_48 = tpu.memref_slice %dma_wait3A_46[%mul3A_6, %dma_wait3A_47] : memref<10240x64xf32, #tpu.memory_space<hbm>> -> memref<640x64xf32, #tpu.memory_space<hbm>>
      %dma_wait3A_49 = arith.constant 0 : i32
      %dma_wait3A_50 = tpu.memref_slice %arg7[%mul3A_6, %dma_wait3A_49] : memref<10240x64xf32, #tpu.memory_space<vmem_shared>> -> memref<640x64xf32, #tpu.memory_space<vmem_shared>>
      tpu.wait_dma2 semaphore(%run_scoped3A : memref<!tpu.dma_semaphore, #tpu.memory_space<semaphore_mem>>) src(%dma_wait3A_50 : memref<640x64xf32, #tpu.memory_space<vmem_shared>>) dst(%dma_wait3A_48 : memref<640x64xf32, #tpu.memory_space<hbm>>)
      tpu.yield
    }) : () -> ()
    return
  }
}

#map = affine_map<(d0, d1) -> (0, 0, 0)>
#map1 = affine_map<(d0, d1) -> (0, 0)>
module attributes {stable_mosaic.version = 14 : i64} {
  func.func @body(%arg0: i32, %arg1: i32, %arg2: memref<32x80x125xi32, #tpu.memory_space<hbm>>, %arg3: memref<253x16xf32, #tpu.memory_space<hbm>>, %arg4: memref<2x10240x16xf32, #tpu.memory_space<hbm>>, %arg5: memref<10240x16xf32, #tpu.memory_space<vmem_shared>>, %arg6: memref<80x125xi32, #tpu.memory_space<vmem>>, %arg7: memref<125x16xf32, #tpu.memory_space<vmem>>) attributes {dimension_semantics = [#tpu.dimension_semantics<core_parallel>, #tpu.dimension_semantics<subcore_parallel>], iteration_bounds = array<i64: 2, 16>, scalar_prefetch = 0 : i64, scratch_operands = 3 : i64, tpu.core_type = #tpu.core_type<sc_vector_subcore>, window_params = [{transform_indices = #map}, {transform_indices = #map1}, {transform_indices = #map}]} {
    %mul3A = arith.constant 16 : i32
    %mul3A_0 = arith.muli %arg0, %mul3A : i32
    %add3A = arith.addi %mul3A_0, %arg1 : i32
    "tpu.region"() ({
      %run_scoped3A = tpu.sem_alloc : memref<!tpu.dma_semaphore, #tpu.memory_space<semaphore_mem>>
      %dma_start3A = arith.constant 0 : i32
      %dma_start3A_19 = arith.constant 0 : i32
      %dma_start3A_20 = tpu.memref_slice %arg2[%add3A, %dma_start3A, %dma_start3A_19] : memref<32x80x125xi32, #tpu.memory_space<hbm>> -> memref<1x80x125xi32, #tpu.memory_space<hbm>>
      %dma_start3A_21 = tpu.memref_squeeze %dma_start3A_20 : memref<1x80x125xi32, #tpu.memory_space<hbm>> -> memref<80x125xi32, #tpu.memory_space<hbm>>
      %dma_start3A_22 = arith.constant 0 : i32
      %dma_start3A_23 = arith.constant 0 : i32
      %dma_start3A_24 = tpu.memref_slice %arg2[%add3A, %dma_start3A_22, %dma_start3A_23] : memref<32x80x125xi32, #tpu.memory_space<hbm>> -> memref<1x80x125xi32, #tpu.memory_space<hbm>>
      %dma_start3A_25 = tpu.memref_squeeze %dma_start3A_24 : memref<1x80x125xi32, #tpu.memory_space<hbm>> -> memref<80x125xi32, #tpu.memory_space<hbm>>
      tpu.enqueue_dma source(%dma_start3A_25 : memref<80x125xi32, #tpu.memory_space<hbm>>) target(%arg6 : memref<80x125xi32, #tpu.memory_space<vmem>>) target_semaphore(%run_scoped3A : memref<!tpu.dma_semaphore, #tpu.memory_space<semaphore_mem>>)
      %dma_wait3A = arith.constant 0 : i32
      %dma_wait3A_26 = arith.constant 0 : i32
      %dma_wait3A_27 = tpu.memref_slice %arg2[%add3A, %dma_wait3A, %dma_wait3A_26] : memref<32x80x125xi32, #tpu.memory_space<hbm>> -> memref<1x80x125xi32, #tpu.memory_space<hbm>>
      %dma_wait3A_28 = tpu.memref_squeeze %dma_wait3A_27 : memref<1x80x125xi32, #tpu.memory_space<hbm>> -> memref<80x125xi32, #tpu.memory_space<hbm>>
      %dma_wait3A_29 = arith.constant 0 : i32
      %dma_wait3A_30 = arith.constant 0 : i32
      %dma_wait3A_31 = tpu.memref_slice %arg2[%add3A, %dma_wait3A_29, %dma_wait3A_30] : memref<32x80x125xi32, #tpu.memory_space<hbm>> -> memref<1x80x125xi32, #tpu.memory_space<hbm>>
      %dma_wait3A_32 = tpu.memref_squeeze %dma_wait3A_31 : memref<1x80x125xi32, #tpu.memory_space<hbm>> -> memref<80x125xi32, #tpu.memory_space<hbm>>
      tpu.wait_dma2 semaphore(%run_scoped3A : memref<!tpu.dma_semaphore, #tpu.memory_space<semaphore_mem>>) src(%dma_wait3A_32 : memref<80x125xi32, #tpu.memory_space<hbm>>) dst(%arg6 : memref<80x125xi32, #tpu.memory_space<vmem>>)
      tpu.yield
    }) : () -> ()
    "tpu.region"() ({
      %run_scoped3A = tpu.sem_alloc : memref<!tpu.dma_semaphore, #tpu.memory_space<semaphore_mem>>
      %dma_start3A = arith.constant 0 : i32
      %dma_start3A_19 = arith.constant 0 : i32
      %dma_start3A_20 = tpu.memref_slice %arg3[%dma_start3A, %dma_start3A_19] : memref<253x16xf32, #tpu.memory_space<hbm>> -> memref<125x16xf32, #tpu.memory_space<hbm>>
      %dma_start3A_21 = arith.constant 0 : i32
      %dma_start3A_22 = arith.constant 0 : i32
      %dma_start3A_23 = tpu.memref_slice %arg3[%dma_start3A_21, %dma_start3A_22] : memref<253x16xf32, #tpu.memory_space<hbm>> -> memref<125x16xf32, #tpu.memory_space<hbm>>
      tpu.enqueue_dma source(%dma_start3A_23 : memref<125x16xf32, #tpu.memory_space<hbm>>) target(%arg7 : memref<125x16xf32, #tpu.memory_space<vmem>>) target_semaphore(%run_scoped3A : memref<!tpu.dma_semaphore, #tpu.memory_space<semaphore_mem>>)
      %dma_wait3A = arith.constant 0 : i32
      %dma_wait3A_24 = arith.constant 0 : i32
      %dma_wait3A_25 = tpu.memref_slice %arg3[%dma_wait3A, %dma_wait3A_24] : memref<253x16xf32, #tpu.memory_space<hbm>> -> memref<125x16xf32, #tpu.memory_space<hbm>>
      %dma_wait3A_26 = arith.constant 0 : i32
      %dma_wait3A_27 = arith.constant 0 : i32
      %dma_wait3A_28 = tpu.memref_slice %arg3[%dma_wait3A_26, %dma_wait3A_27] : memref<253x16xf32, #tpu.memory_space<hbm>> -> memref<125x16xf32, #tpu.memory_space<hbm>>
      tpu.wait_dma2 semaphore(%run_scoped3A : memref<!tpu.dma_semaphore, #tpu.memory_space<semaphore_mem>>) src(%dma_wait3A_28 : memref<125x16xf32, #tpu.memory_space<hbm>>) dst(%arg7 : memref<125x16xf32, #tpu.memory_space<vmem>>)
      tpu.yield
    }) : () -> ()
    %mul3A_1 = arith.constant 640 : i32
    %mul3A_2 = arith.muli %arg1, %mul3A_1 : i32
    %add3A_3 = arith.constant 0 : i32
    %add3A_4 = arith.addi %mul3A_2, %add3A_3 : i32
    "tpu.region"() ({
      %run_scoped3A = tpu.sem_alloc : memref<!tpu.dma_semaphore, #tpu.memory_space<semaphore_mem>>
      %dma_start3A = arith.constant 0 : i32
      %dma_start3A_19 = tpu.memref_slice %arg5[%add3A_4, %dma_start3A] : memref<10240x16xf32, #tpu.memory_space<vmem_shared>> -> memref<128x16xf32, #tpu.memory_space<vmem_shared>>
      %dma_start3A_20 = arith.constant 125 : i32
      %dma_start3A_21 = arith.constant 0 : i32
      %dma_start3A_22 = tpu.memref_slice %arg3[%dma_start3A_20, %dma_start3A_21] : memref<253x16xf32, #tpu.memory_space<hbm>> -> memref<128x16xf32, #tpu.memory_space<hbm>>
      tpu.enqueue_dma source(%dma_start3A_22 : memref<128x16xf32, #tpu.memory_space<hbm>>) target(%dma_start3A_19 : memref<128x16xf32, #tpu.memory_space<vmem_shared>>) target_semaphore(%run_scoped3A : memref<!tpu.dma_semaphore, #tpu.memory_space<semaphore_mem>>)
      %dma_wait3A = arith.constant 0 : i32
      %dma_wait3A_23 = tpu.memref_slice %arg5[%add3A_4, %dma_wait3A] : memref<10240x16xf32, #tpu.memory_space<vmem_shared>> -> memref<128x16xf32, #tpu.memory_space<vmem_shared>>
      %dma_wait3A_24 = arith.constant 125 : i32
      %dma_wait3A_25 = arith.constant 0 : i32
      %dma_wait3A_26 = tpu.memref_slice %arg3[%dma_wait3A_24, %dma_wait3A_25] : memref<253x16xf32, #tpu.memory_space<hbm>> -> memref<128x16xf32, #tpu.memory_space<hbm>>
      tpu.wait_dma2 semaphore(%run_scoped3A : memref<!tpu.dma_semaphore, #tpu.memory_space<semaphore_mem>>) src(%dma_wait3A_26 : memref<128x16xf32, #tpu.memory_space<hbm>>) dst(%dma_wait3A_23 : memref<128x16xf32, #tpu.memory_space<vmem_shared>>)
      tpu.yield
    }) : () -> ()
    %add3A_5 = arith.constant 128 : i32
    %add3A_6 = arith.addi %mul3A_2, %add3A_5 : i32
    "tpu.region"() ({
      %run_scoped3A = tpu.sem_alloc : memref<!tpu.dma_semaphore, #tpu.memory_space<semaphore_mem>>
      %dma_start3A = arith.constant 0 : i32
      %dma_start3A_19 = tpu.memref_slice %arg5[%add3A_6, %dma_start3A] : memref<10240x16xf32, #tpu.memory_space<vmem_shared>> -> memref<128x16xf32, #tpu.memory_space<vmem_shared>>
      %dma_start3A_20 = arith.constant 125 : i32
      %dma_start3A_21 = arith.constant 0 : i32
      %dma_start3A_22 = tpu.memref_slice %arg3[%dma_start3A_20, %dma_start3A_21] : memref<253x16xf32, #tpu.memory_space<hbm>> -> memref<128x16xf32, #tpu.memory_space<hbm>>
      tpu.enqueue_dma source(%dma_start3A_22 : memref<128x16xf32, #tpu.memory_space<hbm>>) target(%dma_start3A_19 : memref<128x16xf32, #tpu.memory_space<vmem_shared>>) target_semaphore(%run_scoped3A : memref<!tpu.dma_semaphore, #tpu.memory_space<semaphore_mem>>)
      %dma_wait3A = arith.constant 0 : i32
      %dma_wait3A_23 = tpu.memref_slice %arg5[%add3A_6, %dma_wait3A] : memref<10240x16xf32, #tpu.memory_space<vmem_shared>> -> memref<128x16xf32, #tpu.memory_space<vmem_shared>>
      %dma_wait3A_24 = arith.constant 125 : i32
      %dma_wait3A_25 = arith.constant 0 : i32
      %dma_wait3A_26 = tpu.memref_slice %arg3[%dma_wait3A_24, %dma_wait3A_25] : memref<253x16xf32, #tpu.memory_space<hbm>> -> memref<128x16xf32, #tpu.memory_space<hbm>>
      tpu.wait_dma2 semaphore(%run_scoped3A : memref<!tpu.dma_semaphore, #tpu.memory_space<semaphore_mem>>) src(%dma_wait3A_26 : memref<128x16xf32, #tpu.memory_space<hbm>>) dst(%dma_wait3A_23 : memref<128x16xf32, #tpu.memory_space<vmem_shared>>)
      tpu.yield
    }) : () -> ()
    %add3A_7 = arith.constant 256 : i32
    %add3A_8 = arith.addi %mul3A_2, %add3A_7 : i32
    "tpu.region"() ({
      %run_scoped3A = tpu.sem_alloc : memref<!tpu.dma_semaphore, #tpu.memory_space<semaphore_mem>>
      %dma_start3A = arith.constant 0 : i32
      %dma_start3A_19 = tpu.memref_slice %arg5[%add3A_8, %dma_start3A] : memref<10240x16xf32, #tpu.memory_space<vmem_shared>> -> memref<128x16xf32, #tpu.memory_space<vmem_shared>>
      %dma_start3A_20 = arith.constant 125 : i32
      %dma_start3A_21 = arith.constant 0 : i32
      %dma_start3A_22 = tpu.memref_slice %arg3[%dma_start3A_20, %dma_start3A_21] : memref<253x16xf32, #tpu.memory_space<hbm>> -> memref<128x16xf32, #tpu.memory_space<hbm>>
      tpu.enqueue_dma source(%dma_start3A_22 : memref<128x16xf32, #tpu.memory_space<hbm>>) target(%dma_start3A_19 : memref<128x16xf32, #tpu.memory_space<vmem_shared>>) target_semaphore(%run_scoped3A : memref<!tpu.dma_semaphore, #tpu.memory_space<semaphore_mem>>)
      %dma_wait3A = arith.constant 0 : i32
      %dma_wait3A_23 = tpu.memref_slice %arg5[%add3A_8, %dma_wait3A] : memref<10240x16xf32, #tpu.memory_space<vmem_shared>> -> memref<128x16xf32, #tpu.memory_space<vmem_shared>>
      %dma_wait3A_24 = arith.constant 125 : i32
      %dma_wait3A_25 = arith.constant 0 : i32
      %dma_wait3A_26 = tpu.memref_slice %arg3[%dma_wait3A_24, %dma_wait3A_25] : memref<253x16xf32, #tpu.memory_space<hbm>> -> memref<128x16xf32, #tpu.memory_space<hbm>>
      tpu.wait_dma2 semaphore(%run_scoped3A : memref<!tpu.dma_semaphore, #tpu.memory_space<semaphore_mem>>) src(%dma_wait3A_26 : memref<128x16xf32, #tpu.memory_space<hbm>>) dst(%dma_wait3A_23 : memref<128x16xf32, #tpu.memory_space<vmem_shared>>)
      tpu.yield
    }) : () -> ()
    %add3A_9 = arith.constant 384 : i32
    %add3A_10 = arith.addi %mul3A_2, %add3A_9 : i32
    "tpu.region"() ({
      %run_scoped3A = tpu.sem_alloc : memref<!tpu.dma_semaphore, #tpu.memory_space<semaphore_mem>>
      %dma_start3A = arith.constant 0 : i32
      %dma_start3A_19 = tpu.memref_slice %arg5[%add3A_10, %dma_start3A] : memref<10240x16xf32, #tpu.memory_space<vmem_shared>> -> memref<128x16xf32, #tpu.memory_space<vmem_shared>>
      %dma_start3A_20 = arith.constant 125 : i32
      %dma_start3A_21 = arith.constant 0 : i32
      %dma_start3A_22 = tpu.memref_slice %arg3[%dma_start3A_20, %dma_start3A_21] : memref<253x16xf32, #tpu.memory_space<hbm>> -> memref<128x16xf32, #tpu.memory_space<hbm>>
      tpu.enqueue_dma source(%dma_start3A_22 : memref<128x16xf32, #tpu.memory_space<hbm>>) target(%dma_start3A_19 : memref<128x16xf32, #tpu.memory_space<vmem_shared>>) target_semaphore(%run_scoped3A : memref<!tpu.dma_semaphore, #tpu.memory_space<semaphore_mem>>)
      %dma_wait3A = arith.constant 0 : i32
      %dma_wait3A_23 = tpu.memref_slice %arg5[%add3A_10, %dma_wait3A] : memref<10240x16xf32, #tpu.memory_space<vmem_shared>> -> memref<128x16xf32, #tpu.memory_space<vmem_shared>>
      %dma_wait3A_24 = arith.constant 125 : i32
      %dma_wait3A_25 = arith.constant 0 : i32
      %dma_wait3A_26 = tpu.memref_slice %arg3[%dma_wait3A_24, %dma_wait3A_25] : memref<253x16xf32, #tpu.memory_space<hbm>> -> memref<128x16xf32, #tpu.memory_space<hbm>>
      tpu.wait_dma2 semaphore(%run_scoped3A : memref<!tpu.dma_semaphore, #tpu.memory_space<semaphore_mem>>) src(%dma_wait3A_26 : memref<128x16xf32, #tpu.memory_space<hbm>>) dst(%dma_wait3A_23 : memref<128x16xf32, #tpu.memory_space<vmem_shared>>)
      tpu.yield
    }) : () -> ()
    %add3A_11 = arith.constant 512 : i32
    %add3A_12 = arith.addi %mul3A_2, %add3A_11 : i32
    "tpu.region"() ({
      %run_scoped3A = tpu.sem_alloc : memref<!tpu.dma_semaphore, #tpu.memory_space<semaphore_mem>>
      %dma_start3A = arith.constant 0 : i32
      %dma_start3A_19 = tpu.memref_slice %arg5[%add3A_12, %dma_start3A] : memref<10240x16xf32, #tpu.memory_space<vmem_shared>> -> memref<128x16xf32, #tpu.memory_space<vmem_shared>>
      %dma_start3A_20 = arith.constant 125 : i32
      %dma_start3A_21 = arith.constant 0 : i32
      %dma_start3A_22 = tpu.memref_slice %arg3[%dma_start3A_20, %dma_start3A_21] : memref<253x16xf32, #tpu.memory_space<hbm>> -> memref<128x16xf32, #tpu.memory_space<hbm>>
      tpu.enqueue_dma source(%dma_start3A_22 : memref<128x16xf32, #tpu.memory_space<hbm>>) target(%dma_start3A_19 : memref<128x16xf32, #tpu.memory_space<vmem_shared>>) target_semaphore(%run_scoped3A : memref<!tpu.dma_semaphore, #tpu.memory_space<semaphore_mem>>)
      %dma_wait3A = arith.constant 0 : i32
      %dma_wait3A_23 = tpu.memref_slice %arg5[%add3A_12, %dma_wait3A] : memref<10240x16xf32, #tpu.memory_space<vmem_shared>> -> memref<128x16xf32, #tpu.memory_space<vmem_shared>>
      %dma_wait3A_24 = arith.constant 125 : i32
      %dma_wait3A_25 = arith.constant 0 : i32
      %dma_wait3A_26 = tpu.memref_slice %arg3[%dma_wait3A_24, %dma_wait3A_25] : memref<253x16xf32, #tpu.memory_space<hbm>> -> memref<128x16xf32, #tpu.memory_space<hbm>>
      tpu.wait_dma2 semaphore(%run_scoped3A : memref<!tpu.dma_semaphore, #tpu.memory_space<semaphore_mem>>) src(%dma_wait3A_26 : memref<128x16xf32, #tpu.memory_space<hbm>>) dst(%dma_wait3A_23 : memref<128x16xf32, #tpu.memory_space<vmem_shared>>)
      tpu.yield
    }) : () -> ()
    %barrier3A = arith.constant 0 : index
    tpu.barrier barrier_id(%barrier3A)
    %scan3A = arith.constant 0 : i32
    %scan3A_13 = arith.constant 0 : i32
    %scan3A_14 = arith.constant 80 : i32
    %scan3A_15 = arith.addi %scan3A_13, %scan3A_14 : i32
    %scan3A_16 = arith.constant 1 : i32
    scf.for %scan3A_19 = %scan3A_13 to %scan3A_15 step %scan3A_16  : i32 {
      "tpu.region"() ({
        %run_scoped3A = tpu.sem_alloc : memref<!tpu.dma_semaphore, #tpu.memory_space<semaphore_mem>>
        %dma_start3A = arith.constant 0 : i32
        %dma_start3A_20 = tpu.memref_slice %arg6[%scan3A_19, %dma_start3A] : memref<80x125xi32, #tpu.memory_space<vmem>> -> memref<1x125xi32, #tpu.memory_space<vmem>>
        %dma_start3A_21 = tpu.memref_squeeze %dma_start3A_20 : memref<1x125xi32, #tpu.memory_space<vmem>> -> memref<125xi32, #tpu.memory_space<vmem>>
        %dma_start3A_22 = arith.constant 0 : i32
        %dma_start3A_23 = arith.constant 0 : i32
        %dma_start3A_24 = tpu.memref_slice %arg5[%dma_start3A_22, %dma_start3A_23] : memref<10240x16xf32, #tpu.memory_space<vmem_shared>> -> memref<10240x16xf32, #tpu.memory_space<vmem_shared>>
        tpu.enqueue_indirect_dma source(%arg7 : memref<125x16xf32, #tpu.memory_space<vmem>>) target(%dma_start3A_24 : memref<10240x16xf32, #tpu.memory_space<vmem_shared>>) offsets(%dma_start3A_21 : memref<125xi32, #tpu.memory_space<vmem>>) semaphore(%run_scoped3A : memref<!tpu.dma_semaphore, #tpu.memory_space<semaphore_mem>>) {add = true}
        %dma_wait3A = arith.constant 0 : i32
        %dma_wait3A_25 = tpu.memref_slice %arg6[%scan3A_19, %dma_wait3A] : memref<80x125xi32, #tpu.memory_space<vmem>> -> memref<1x125xi32, #tpu.memory_space<vmem>>
        %dma_wait3A_26 = tpu.memref_squeeze %dma_wait3A_25 : memref<1x125xi32, #tpu.memory_space<vmem>> -> memref<125xi32, #tpu.memory_space<vmem>>
        %dma_wait3A_27 = arith.constant 0 : i32
        %dma_wait3A_28 = arith.constant 0 : i32
        %dma_wait3A_29 = tpu.memref_slice %arg5[%dma_wait3A_27, %dma_wait3A_28] : memref<10240x16xf32, #tpu.memory_space<vmem_shared>> -> memref<10240x16xf32, #tpu.memory_space<vmem_shared>>
        tpu.wait_indirect_dma semaphore(%run_scoped3A : memref<!tpu.dma_semaphore, #tpu.memory_space<semaphore_mem>>) src(%arg7 : memref<125x16xf32, #tpu.memory_space<vmem>>) dst(%dma_wait3A_29 : memref<10240x16xf32, #tpu.memory_space<vmem_shared>>)
        tpu.yield
      }) : () -> ()
    }
    %scan3A_17 = arith.constant 80 : i32
    %barrier3A_18 = arith.constant 0 : index
    tpu.barrier barrier_id(%barrier3A_18)
    "tpu.region"() ({
      %run_scoped3A = tpu.sem_alloc : memref<!tpu.dma_semaphore, #tpu.memory_space<semaphore_mem>>
      %dma_start3A = arith.constant 0 : i32
      %dma_start3A_19 = arith.constant 0 : i32
      %dma_start3A_20 = tpu.memref_slice %arg4[%arg0, %dma_start3A, %dma_start3A_19] : memref<2x10240x16xf32, #tpu.memory_space<hbm>> -> memref<1x10240x16xf32, #tpu.memory_space<hbm>>
      %dma_start3A_21 = tpu.memref_squeeze %dma_start3A_20 : memref<1x10240x16xf32, #tpu.memory_space<hbm>> -> memref<10240x16xf32, #tpu.memory_space<hbm>>
      %dma_start3A_22 = arith.constant 0 : i32
      %dma_start3A_23 = tpu.memref_slice %dma_start3A_21[%mul3A_2, %dma_start3A_22] : memref<10240x16xf32, #tpu.memory_space<hbm>> -> memref<640x16xf32, #tpu.memory_space<hbm>>
      %dma_start3A_24 = arith.constant 0 : i32
      %dma_start3A_25 = tpu.memref_slice %arg5[%mul3A_2, %dma_start3A_24] : memref<10240x16xf32, #tpu.memory_space<vmem_shared>> -> memref<640x16xf32, #tpu.memory_space<vmem_shared>>
      tpu.enqueue_dma source(%dma_start3A_25 : memref<640x16xf32, #tpu.memory_space<vmem_shared>>) target(%dma_start3A_23 : memref<640x16xf32, #tpu.memory_space<hbm>>) target_semaphore(%run_scoped3A : memref<!tpu.dma_semaphore, #tpu.memory_space<semaphore_mem>>)
      %dma_wait3A = arith.constant 0 : i32
      %dma_wait3A_26 = arith.constant 0 : i32
      %dma_wait3A_27 = tpu.memref_slice %arg4[%arg0, %dma_wait3A, %dma_wait3A_26] : memref<2x10240x16xf32, #tpu.memory_space<hbm>> -> memref<1x10240x16xf32, #tpu.memory_space<hbm>>
      %dma_wait3A_28 = tpu.memref_squeeze %dma_wait3A_27 : memref<1x10240x16xf32, #tpu.memory_space<hbm>> -> memref<10240x16xf32, #tpu.memory_space<hbm>>
      %dma_wait3A_29 = arith.constant 0 : i32
      %dma_wait3A_30 = tpu.memref_slice %dma_wait3A_28[%mul3A_2, %dma_wait3A_29] : memref<10240x16xf32, #tpu.memory_space<hbm>> -> memref<640x16xf32, #tpu.memory_space<hbm>>
      %dma_wait3A_31 = arith.constant 0 : i32
      %dma_wait3A_32 = tpu.memref_slice %arg5[%mul3A_2, %dma_wait3A_31] : memref<10240x16xf32, #tpu.memory_space<vmem_shared>> -> memref<640x16xf32, #tpu.memory_space<vmem_shared>>
      tpu.wait_dma2 semaphore(%run_scoped3A : memref<!tpu.dma_semaphore, #tpu.memory_space<semaphore_mem>>) src(%dma_wait3A_32 : memref<640x16xf32, #tpu.memory_space<vmem_shared>>) dst(%dma_wait3A_30 : memref<640x16xf32, #tpu.memory_space<hbm>>)
      tpu.yield
    }) : () -> ()
    return
  }
}

#map = affine_map<(d0, d1) -> (0, 0)>
#map1 = affine_map<(d0, d1) -> (0, 0, 0)>
module attributes {stable_mosaic.version = 14 : i64} {
  func.func @body(%arg0: i32, %arg1: i32, %arg2: memref<10000x64xf32, #tpu.memory_space<hbm>>, %arg3: memref<32x80x125xi32, #tpu.memory_space<hbm>>, %arg4: memref<32x80x125xi32, #tpu.memory_space<hbm>>, %arg5: memref<128x64xf32, #tpu.memory_space<hbm>>, %arg6: memref<2x10240x64xf32, #tpu.memory_space<hbm>>, %arg7: memref<10240x64xf32, #tpu.memory_space<vmem_shared>>, %arg8: memref<10000x64xf32, #tpu.memory_space<vmem_shared>>, %arg9: memref<80x125xi32, #tpu.memory_space<vmem>>, %arg10: memref<80x125xi32, #tpu.memory_space<vmem>>, %arg11: memref<125x64xf32, #tpu.memory_space<vmem>>, %arg12: memref<125x64xf32, #tpu.memory_space<vmem>>, %arg13: memref<!tpu.dma_semaphore, #tpu.memory_space<semaphore_mem>>, %arg14: memref<!tpu.dma_semaphore, #tpu.memory_space<semaphore_mem>>, %arg15: memref<!tpu.dma_semaphore, #tpu.memory_space<semaphore_mem>>, %arg16: memref<!tpu.dma_semaphore, #tpu.memory_space<semaphore_mem>>) attributes {dimension_semantics = [#tpu.dimension_semantics<core_parallel>, #tpu.dimension_semantics<subcore_parallel>], iteration_bounds = array<i64: 2, 16>, scalar_prefetch = 0 : i64, scratch_operands = 10 : i64, tpu.core_type = #tpu.core_type<sc_vector_subcore>, window_params = [{transform_indices = #map}, {transform_indices = #map1}, {transform_indices = #map1}, {transform_indices = #map}, {transform_indices = #map1}]} {
    %mul3A = arith.constant 16 : i32
    %mul3A_0 = arith.muli %arg0, %mul3A : i32
    %add3A = arith.addi %mul3A_0, %arg1 : i32
    "tpu.region"() ({
      %run_scoped3A = tpu.sem_alloc : memref<!tpu.dma_semaphore, #tpu.memory_space<semaphore_mem>>
      %dma_start3A_35 = arith.constant 0 : i32
      %dma_start3A_36 = arith.constant 0 : i32
      %dma_start3A_37 = tpu.memref_slice %arg3[%add3A, %dma_start3A_35, %dma_start3A_36] : memref<32x80x125xi32, #tpu.memory_space<hbm>> -> memref<1x80x125xi32, #tpu.memory_space<hbm>>
      %dma_start3A_38 = tpu.memref_squeeze %dma_start3A_37 : memref<1x80x125xi32, #tpu.memory_space<hbm>> -> memref<80x125xi32, #tpu.memory_space<hbm>>
      %dma_start3A_39 = arith.constant 0 : i32
      %dma_start3A_40 = arith.constant 0 : i32
      %dma_start3A_41 = tpu.memref_slice %arg3[%add3A, %dma_start3A_39, %dma_start3A_40] : memref<32x80x125xi32, #tpu.memory_space<hbm>> -> memref<1x80x125xi32, #tpu.memory_space<hbm>>
      %dma_start3A_42 = tpu.memref_squeeze %dma_start3A_41 : memref<1x80x125xi32, #tpu.memory_space<hbm>> -> memref<80x125xi32, #tpu.memory_space<hbm>>
      tpu.enqueue_dma source(%dma_start3A_42 : memref<80x125xi32, #tpu.memory_space<hbm>>) target(%arg9 : memref<80x125xi32, #tpu.memory_space<vmem>>) target_semaphore(%run_scoped3A : memref<!tpu.dma_semaphore, #tpu.memory_space<semaphore_mem>>)
      %dma_wait3A_43 = arith.constant 0 : i32
      %dma_wait3A_44 = arith.constant 0 : i32
      %dma_wait3A_45 = tpu.memref_slice %arg3[%add3A, %dma_wait3A_43, %dma_wait3A_44] : memref<32x80x125xi32, #tpu.memory_space<hbm>> -> memref<1x80x125xi32, #tpu.memory_space<hbm>>
      %dma_wait3A_46 = tpu.memref_squeeze %dma_wait3A_45 : memref<1x80x125xi32, #tpu.memory_space<hbm>> -> memref<80x125xi32, #tpu.memory_space<hbm>>
      %dma_wait3A_47 = arith.constant 0 : i32
      %dma_wait3A_48 = arith.constant 0 : i32
      %dma_wait3A_49 = tpu.memref_slice %arg3[%add3A, %dma_wait3A_47, %dma_wait3A_48] : memref<32x80x125xi32, #tpu.memory_space<hbm>> -> memref<1x80x125xi32, #tpu.memory_space<hbm>>
      %dma_wait3A_50 = tpu.memref_squeeze %dma_wait3A_49 : memref<1x80x125xi32, #tpu.memory_space<hbm>> -> memref<80x125xi32, #tpu.memory_space<hbm>>
      tpu.wait_dma2 semaphore(%run_scoped3A : memref<!tpu.dma_semaphore, #tpu.memory_space<semaphore_mem>>) src(%dma_wait3A_50 : memref<80x125xi32, #tpu.memory_space<hbm>>) dst(%arg9 : memref<80x125xi32, #tpu.memory_space<vmem>>)
      tpu.yield
    }) : () -> ()
    "tpu.region"() ({
      %run_scoped3A = tpu.sem_alloc : memref<!tpu.dma_semaphore, #tpu.memory_space<semaphore_mem>>
      %dma_start3A_35 = arith.constant 0 : i32
      %dma_start3A_36 = arith.constant 0 : i32
      %dma_start3A_37 = tpu.memref_slice %arg4[%add3A, %dma_start3A_35, %dma_start3A_36] : memref<32x80x125xi32, #tpu.memory_space<hbm>> -> memref<1x80x125xi32, #tpu.memory_space<hbm>>
      %dma_start3A_38 = tpu.memref_squeeze %dma_start3A_37 : memref<1x80x125xi32, #tpu.memory_space<hbm>> -> memref<80x125xi32, #tpu.memory_space<hbm>>
      %dma_start3A_39 = arith.constant 0 : i32
      %dma_start3A_40 = arith.constant 0 : i32
      %dma_start3A_41 = tpu.memref_slice %arg4[%add3A, %dma_start3A_39, %dma_start3A_40] : memref<32x80x125xi32, #tpu.memory_space<hbm>> -> memref<1x80x125xi32, #tpu.memory_space<hbm>>
      %dma_start3A_42 = tpu.memref_squeeze %dma_start3A_41 : memref<1x80x125xi32, #tpu.memory_space<hbm>> -> memref<80x125xi32, #tpu.memory_space<hbm>>
      tpu.enqueue_dma source(%dma_start3A_42 : memref<80x125xi32, #tpu.memory_space<hbm>>) target(%arg10 : memref<80x125xi32, #tpu.memory_space<vmem>>) target_semaphore(%run_scoped3A : memref<!tpu.dma_semaphore, #tpu.memory_space<semaphore_mem>>)
      %dma_wait3A_43 = arith.constant 0 : i32
      %dma_wait3A_44 = arith.constant 0 : i32
      %dma_wait3A_45 = tpu.memref_slice %arg4[%add3A, %dma_wait3A_43, %dma_wait3A_44] : memref<32x80x125xi32, #tpu.memory_space<hbm>> -> memref<1x80x125xi32, #tpu.memory_space<hbm>>
      %dma_wait3A_46 = tpu.memref_squeeze %dma_wait3A_45 : memref<1x80x125xi32, #tpu.memory_space<hbm>> -> memref<80x125xi32, #tpu.memory_space<hbm>>
      %dma_wait3A_47 = arith.constant 0 : i32
      %dma_wait3A_48 = arith.constant 0 : i32
      %dma_wait3A_49 = tpu.memref_slice %arg4[%add3A, %dma_wait3A_47, %dma_wait3A_48] : memref<32x80x125xi32, #tpu.memory_space<hbm>> -> memref<1x80x125xi32, #tpu.memory_space<hbm>>
      %dma_wait3A_50 = tpu.memref_squeeze %dma_wait3A_49 : memref<1x80x125xi32, #tpu.memory_space<hbm>> -> memref<80x125xi32, #tpu.memory_space<hbm>>
      tpu.wait_dma2 semaphore(%run_scoped3A : memref<!tpu.dma_semaphore, #tpu.memory_space<semaphore_mem>>) src(%dma_wait3A_50 : memref<80x125xi32, #tpu.memory_space<hbm>>) dst(%arg10 : memref<80x125xi32, #tpu.memory_space<vmem>>)
      tpu.yield
    }) : () -> ()
    %mul3A_1 = arith.constant 625 : i32
    %mul3A_2 = arith.muli %arg1, %mul3A_1 : i32
    %mul3A_3 = arith.constant 625 : i32
    %mul3A_4 = arith.muli %arg1, %mul3A_3 : i32
    "tpu.region"() ({
      %run_scoped3A = tpu.sem_alloc : memref<!tpu.dma_semaphore, #tpu.memory_space<semaphore_mem>>
      %dma_start3A_35 = arith.constant 0 : i32
      %dma_start3A_36 = tpu.memref_slice %arg8[%mul3A_4, %dma_start3A_35] : memref<10000x64xf32, #tpu.memory_space<vmem_shared>> -> memref<625x64xf32, #tpu.memory_space<vmem_shared>>
      %dma_start3A_37 = arith.constant 0 : i32
      %dma_start3A_38 = tpu.memref_slice %arg2[%mul3A_2, %dma_start3A_37] : memref<10000x64xf32, #tpu.memory_space<hbm>> -> memref<625x64xf32, #tpu.memory_space<hbm>>
      tpu.enqueue_dma source(%dma_start3A_38 : memref<625x64xf32, #tpu.memory_space<hbm>>) target(%dma_start3A_36 : memref<625x64xf32, #tpu.memory_space<vmem_shared>>) target_semaphore(%run_scoped3A : memref<!tpu.dma_semaphore, #tpu.memory_space<semaphore_mem>>)
      %dma_wait3A_39 = arith.constant 0 : i32
      %dma_wait3A_40 = tpu.memref_slice %arg8[%mul3A_4, %dma_wait3A_39] : memref<10000x64xf32, #tpu.memory_space<vmem_shared>> -> memref<625x64xf32, #tpu.memory_space<vmem_shared>>
      %dma_wait3A_41 = arith.constant 0 : i32
      %dma_wait3A_42 = tpu.memref_slice %arg2[%mul3A_2, %dma_wait3A_41] : memref<10000x64xf32, #tpu.memory_space<hbm>> -> memref<625x64xf32, #tpu.memory_space<hbm>>
      tpu.wait_dma2 semaphore(%run_scoped3A : memref<!tpu.dma_semaphore, #tpu.memory_space<semaphore_mem>>) src(%dma_wait3A_42 : memref<625x64xf32, #tpu.memory_space<hbm>>) dst(%dma_wait3A_40 : memref<625x64xf32, #tpu.memory_space<vmem_shared>>)
      tpu.yield
    }) : () -> ()
    %mul3A_5 = arith.constant 640 : i32
    %mul3A_6 = arith.muli %arg1, %mul3A_5 : i32
    %add3A_7 = arith.constant 0 : i32
    %add3A_8 = arith.addi %mul3A_6, %add3A_7 : i32
    "tpu.region"() ({
      %run_scoped3A = tpu.sem_alloc : memref<!tpu.dma_semaphore, #tpu.memory_space<semaphore_mem>>
      %dma_start3A_35 = arith.constant 0 : i32
      %dma_start3A_36 = tpu.memref_slice %arg7[%add3A_8, %dma_start3A_35] : memref<10240x64xf32, #tpu.memory_space<vmem_shared>> -> memref<128x64xf32, #tpu.memory_space<vmem_shared>>
      tpu.enqueue_dma source(%arg5 : memref<128x64xf32, #tpu.memory_space<hbm>>) target(%dma_start3A_36 : memref<128x64xf32, #tpu.memory_space<vmem_shared>>) target_semaphore(%run_scoped3A : memref<!tpu.dma_semaphore, #tpu.memory_space<semaphore_mem>>)
      %dma_wait3A_37 = arith.constant 0 : i32
      %dma_wait3A_38 = tpu.memref_slice %arg7[%add3A_8, %dma_wait3A_37] : memref<10240x64xf32, #tpu.memory_space<vmem_shared>> -> memref<128x64xf32, #tpu.memory_space<vmem_shared>>
      tpu.wait_dma2 semaphore(%run_scoped3A : memref<!tpu.dma_semaphore, #tpu.memory_space<semaphore_mem>>) src(%arg5 : memref<128x64xf32, #tpu.memory_space<hbm>>) dst(%dma_wait3A_38 : memref<128x64xf32, #tpu.memory_space<vmem_shared>>)
      tpu.yield
    }) : () -> ()
    %add3A_9 = arith.constant 128 : i32
    %add3A_10 = arith.addi %mul3A_6, %add3A_9 : i32
    "tpu.region"() ({
      %run_scoped3A = tpu.sem_alloc : memref<!tpu.dma_semaphore, #tpu.memory_space<semaphore_mem>>
      %dma_start3A_35 = arith.constant 0 : i32
      %dma_start3A_36 = tpu.memref_slice %arg7[%add3A_10, %dma_start3A_35] : memref<10240x64xf32, #tpu.memory_space<vmem_shared>> -> memref<128x64xf32, #tpu.memory_space<vmem_shared>>
      tpu.enqueue_dma source(%arg5 : memref<128x64xf32, #tpu.memory_space<hbm>>) target(%dma_start3A_36 : memref<128x64xf32, #tpu.memory_space<vmem_shared>>) target_semaphore(%run_scoped3A : memref<!tpu.dma_semaphore, #tpu.memory_space<semaphore_mem>>)
      %dma_wait3A_37 = arith.constant 0 : i32
      %dma_wait3A_38 = tpu.memref_slice %arg7[%add3A_10, %dma_wait3A_37] : memref<10240x64xf32, #tpu.memory_space<vmem_shared>> -> memref<128x64xf32, #tpu.memory_space<vmem_shared>>
      tpu.wait_dma2 semaphore(%run_scoped3A : memref<!tpu.dma_semaphore, #tpu.memory_space<semaphore_mem>>) src(%arg5 : memref<128x64xf32, #tpu.memory_space<hbm>>) dst(%dma_wait3A_38 : memref<128x64xf32, #tpu.memory_space<vmem_shared>>)
      tpu.yield
    }) : () -> ()
    %add3A_11 = arith.constant 256 : i32
    %add3A_12 = arith.addi %mul3A_6, %add3A_11 : i32
    "tpu.region"() ({
      %run_scoped3A = tpu.sem_alloc : memref<!tpu.dma_semaphore, #tpu.memory_space<semaphore_mem>>
      %dma_start3A_35 = arith.constant 0 : i32
      %dma_start3A_36 = tpu.memref_slice %arg7[%add3A_12, %dma_start3A_35] : memref<10240x64xf32, #tpu.memory_space<vmem_shared>> -> memref<128x64xf32, #tpu.memory_space<vmem_shared>>
      tpu.enqueue_dma source(%arg5 : memref<128x64xf32, #tpu.memory_space<hbm>>) target(%dma_start3A_36 : memref<128x64xf32, #tpu.memory_space<vmem_shared>>) target_semaphore(%run_scoped3A : memref<!tpu.dma_semaphore, #tpu.memory_space<semaphore_mem>>)
      %dma_wait3A_37 = arith.constant 0 : i32
      %dma_wait3A_38 = tpu.memref_slice %arg7[%add3A_12, %dma_wait3A_37] : memref<10240x64xf32, #tpu.memory_space<vmem_shared>> -> memref<128x64xf32, #tpu.memory_space<vmem_shared>>
      tpu.wait_dma2 semaphore(%run_scoped3A : memref<!tpu.dma_semaphore, #tpu.memory_space<semaphore_mem>>) src(%arg5 : memref<128x64xf32, #tpu.memory_space<hbm>>) dst(%dma_wait3A_38 : memref<128x64xf32, #tpu.memory_space<vmem_shared>>)
      tpu.yield
    }) : () -> ()
    %add3A_13 = arith.constant 384 : i32
    %add3A_14 = arith.addi %mul3A_6, %add3A_13 : i32
    "tpu.region"() ({
      %run_scoped3A = tpu.sem_alloc : memref<!tpu.dma_semaphore, #tpu.memory_space<semaphore_mem>>
      %dma_start3A_35 = arith.constant 0 : i32
      %dma_start3A_36 = tpu.memref_slice %arg7[%add3A_14, %dma_start3A_35] : memref<10240x64xf32, #tpu.memory_space<vmem_shared>> -> memref<128x64xf32, #tpu.memory_space<vmem_shared>>
      tpu.enqueue_dma source(%arg5 : memref<128x64xf32, #tpu.memory_space<hbm>>) target(%dma_start3A_36 : memref<128x64xf32, #tpu.memory_space<vmem_shared>>) target_semaphore(%run_scoped3A : memref<!tpu.dma_semaphore, #tpu.memory_space<semaphore_mem>>)
      %dma_wait3A_37 = arith.constant 0 : i32
      %dma_wait3A_38 = tpu.memref_slice %arg7[%add3A_14, %dma_wait3A_37] : memref<10240x64xf32, #tpu.memory_space<vmem_shared>> -> memref<128x64xf32, #tpu.memory_space<vmem_shared>>
      tpu.wait_dma2 semaphore(%run_scoped3A : memref<!tpu.dma_semaphore, #tpu.memory_space<semaphore_mem>>) src(%arg5 : memref<128x64xf32, #tpu.memory_space<hbm>>) dst(%dma_wait3A_38 : memref<128x64xf32, #tpu.memory_space<vmem_shared>>)
      tpu.yield
    }) : () -> ()
    %add3A_15 = arith.constant 512 : i32
    %add3A_16 = arith.addi %mul3A_6, %add3A_15 : i32
    "tpu.region"() ({
      %run_scoped3A = tpu.sem_alloc : memref<!tpu.dma_semaphore, #tpu.memory_space<semaphore_mem>>
      %dma_start3A_35 = arith.constant 0 : i32
      %dma_start3A_36 = tpu.memref_slice %arg7[%add3A_16, %dma_start3A_35] : memref<10240x64xf32, #tpu.memory_space<vmem_shared>> -> memref<128x64xf32, #tpu.memory_space<vmem_shared>>
      tpu.enqueue_dma source(%arg5 : memref<128x64xf32, #tpu.memory_space<hbm>>) target(%dma_start3A_36 : memref<128x64xf32, #tpu.memory_space<vmem_shared>>) target_semaphore(%run_scoped3A : memref<!tpu.dma_semaphore, #tpu.memory_space<semaphore_mem>>)
      %dma_wait3A_37 = arith.constant 0 : i32
      %dma_wait3A_38 = tpu.memref_slice %arg7[%add3A_16, %dma_wait3A_37] : memref<10240x64xf32, #tpu.memory_space<vmem_shared>> -> memref<128x64xf32, #tpu.memory_space<vmem_shared>>
      tpu.wait_dma2 semaphore(%run_scoped3A : memref<!tpu.dma_semaphore, #tpu.memory_space<semaphore_mem>>) src(%arg5 : memref<128x64xf32, #tpu.memory_space<hbm>>) dst(%dma_wait3A_38 : memref<128x64xf32, #tpu.memory_space<vmem_shared>>)
      tpu.yield
    }) : () -> ()
    %barrier3A = arith.constant 0 : index
    tpu.barrier barrier_id(%barrier3A)
    %dma_start3A = arith.constant 0 : i32
    %dma_start3A_17 = arith.constant 0 : i32
    %dma_start3A_18 = tpu.memref_slice %arg9[%dma_start3A, %dma_start3A_17] : memref<80x125xi32, #tpu.memory_space<vmem>> -> memref<1x125xi32, #tpu.memory_space<vmem>>
    %dma_start3A_19 = tpu.memref_squeeze %dma_start3A_18 : memref<1x125xi32, #tpu.memory_space<vmem>> -> memref<125xi32, #tpu.memory_space<vmem>>
    %dma_start3A_20 = arith.constant 0 : i32
    %dma_start3A_21 = arith.constant 0 : i32
    %dma_start3A_22 = tpu.memref_slice %arg8[%dma_start3A_20, %dma_start3A_21] : memref<10000x64xf32, #tpu.memory_space<vmem_shared>> -> memref<10000x64xf32, #tpu.memory_space<vmem_shared>>
    tpu.enqueue_indirect_dma source(%dma_start3A_22 : memref<10000x64xf32, #tpu.memory_space<vmem_shared>>) target(%arg11 : memref<125x64xf32, #tpu.memory_space<vmem>>) offsets(%dma_start3A_19 : memref<125xi32, #tpu.memory_space<vmem>>) semaphore(%arg13 : memref<!tpu.dma_semaphore, #tpu.memory_space<semaphore_mem>>)
    %scan3A = arith.constant 0 : i32
    %scan3A_23 = arith.constant 0 : i32
    %scan3A_24 = arith.constant 40 : i32
    %scan3A_25 = arith.addi %scan3A_23, %scan3A_24 : i32
    %scan3A_26 = arith.constant 1 : i32
    scf.for %scan3A_35 = %scan3A_23 to %scan3A_25 step %scan3A_26  : i32 {
      %mul3A_36 = arith.constant 2 : i32
      %mul3A_37 = arith.muli %mul3A_36, %scan3A_35 : i32
      %dma_wait3A_38 = arith.constant 0 : i32
      %dma_wait3A_39 = tpu.memref_slice %arg9[%mul3A_37, %dma_wait3A_38] : memref<80x125xi32, #tpu.memory_space<vmem>> -> memref<1x125xi32, #tpu.memory_space<vmem>>
      %dma_wait3A_40 = tpu.memref_squeeze %dma_wait3A_39 : memref<1x125xi32, #tpu.memory_space<vmem>> -> memref<125xi32, #tpu.memory_space<vmem>>
      %dma_wait3A_41 = arith.constant 0 : i32
      %dma_wait3A_42 = arith.constant 0 : i32
      %dma_wait3A_43 = tpu.memref_slice %arg8[%dma_wait3A_41, %dma_wait3A_42] : memref<10000x64xf32, #tpu.memory_space<vmem_shared>> -> memref<10000x64xf32, #tpu.memory_space<vmem_shared>>
      tpu.wait_indirect_dma semaphore(%arg13 : memref<!tpu.dma_semaphore, #tpu.memory_space<semaphore_mem>>) src(%dma_wait3A_43 : memref<10000x64xf32, #tpu.memory_space<vmem_shared>>) dst(%arg11 : memref<125x64xf32, #tpu.memory_space<vmem>>)
      %ge3A = arith.constant 1 : i32
      %ge3A_44 = arith.cmpi sge, %mul3A_37, %ge3A : i32
      %convert_element_type3A = arith.extui %ge3A_44 : i1 to i32
      %cond3A = arith.constant 0 : i32
      %cond3A_45 = arith.cmpi ne, %convert_element_type3A, %cond3A : i32
      scf.if %cond3A_45 {
        %sub3A = arith.constant 1 : i32
        %sub3A_86 = arith.subi %mul3A_37, %sub3A : i32
        %dma_wait3A_87 = arith.constant 0 : i32
        %dma_wait3A_88 = tpu.memref_slice %arg10[%sub3A_86, %dma_wait3A_87] : memref<80x125xi32, #tpu.memory_space<vmem>> -> memref<1x125xi32, #tpu.memory_space<vmem>>
        %dma_wait3A_89 = tpu.memref_squeeze %dma_wait3A_88 : memref<1x125xi32, #tpu.memory_space<vmem>> -> memref<125xi32, #tpu.memory_space<vmem>>
        %dma_wait3A_90 = arith.constant 0 : i32
        %dma_wait3A_91 = arith.constant 0 : i32
        %dma_wait3A_92 = tpu.memref_slice %arg7[%dma_wait3A_90, %dma_wait3A_91] : memref<10240x64xf32, #tpu.memory_space<vmem_shared>> -> memref<10240x64xf32, #tpu.memory_space<vmem_shared>>
        tpu.wait_indirect_dma semaphore(%arg16 : memref<!tpu.dma_semaphore, #tpu.memory_space<semaphore_mem>>) src(%arg12 : memref<125x64xf32, #tpu.memory_space<vmem>>) dst(%dma_wait3A_92 : memref<10240x64xf32, #tpu.memory_space<vmem_shared>>)
      } else {
      }
      %dma_start3A_46 = arith.constant 0 : i32
      %dma_start3A_47 = tpu.memref_slice %arg10[%mul3A_37, %dma_start3A_46] : memref<80x125xi32, #tpu.memory_space<vmem>> -> memref<1x125xi32, #tpu.memory_space<vmem>>
      %dma_start3A_48 = tpu.memref_squeeze %dma_start3A_47 : memref<1x125xi32, #tpu.memory_space<vmem>> -> memref<125xi32, #tpu.memory_space<vmem>>
      %dma_start3A_49 = arith.constant 0 : i32
      %dma_start3A_50 = arith.constant 0 : i32
      %dma_start3A_51 = tpu.memref_slice %arg7[%dma_start3A_49, %dma_start3A_50] : memref<10240x64xf32, #tpu.memory_space<vmem_shared>> -> memref<10240x64xf32, #tpu.memory_space<vmem_shared>>
      tpu.enqueue_indirect_dma source(%arg11 : memref<125x64xf32, #tpu.memory_space<vmem>>) target(%dma_start3A_51 : memref<10240x64xf32, #tpu.memory_space<vmem_shared>>) offsets(%dma_start3A_48 : memref<125xi32, #tpu.memory_space<vmem>>) semaphore(%arg15 : memref<!tpu.dma_semaphore, #tpu.memory_space<semaphore_mem>>) {add = true}
      %add3A_52 = arith.constant 1 : i32
      %add3A_53 = arith.addi %mul3A_37, %add3A_52 : i32
      %lt3A = arith.constant 80 : i32
      %lt3A_54 = arith.cmpi slt, %add3A_53, %lt3A : i32
      %convert_element_type3A_55 = arith.extui %lt3A_54 : i1 to i32
      %cond3A_56 = arith.constant 0 : i32
      %cond3A_57 = arith.cmpi ne, %convert_element_type3A_55, %cond3A_56 : i32
      scf.if %cond3A_57 {
        %add3A_86 = arith.constant 1 : i32
        %add3A_87 = arith.addi %mul3A_37, %add3A_86 : i32
        %dma_start3A_88 = arith.constant 0 : i32
        %dma_start3A_89 = tpu.memref_slice %arg9[%add3A_87, %dma_start3A_88] : memref<80x125xi32, #tpu.memory_space<vmem>> -> memref<1x125xi32, #tpu.memory_space<vmem>>
        %dma_start3A_90 = tpu.memref_squeeze %dma_start3A_89 : memref<1x125xi32, #tpu.memory_space<vmem>> -> memref<125xi32, #tpu.memory_space<vmem>>
        %dma_start3A_91 = arith.constant 0 : i32
        %dma_start3A_92 = arith.constant 0 : i32
        %dma_start3A_93 = tpu.memref_slice %arg8[%dma_start3A_91, %dma_start3A_92] : memref<10000x64xf32, #tpu.memory_space<vmem_shared>> -> memref<10000x64xf32, #tpu.memory_space<vmem_shared>>
        tpu.enqueue_indirect_dma source(%dma_start3A_93 : memref<10000x64xf32, #tpu.memory_space<vmem_shared>>) target(%arg12 : memref<125x64xf32, #tpu.memory_space<vmem>>) offsets(%dma_start3A_90 : memref<125xi32, #tpu.memory_space<vmem>>) semaphore(%arg14 : memref<!tpu.dma_semaphore, #tpu.memory_space<semaphore_mem>>)
      } else {
      }
      %mul3A_58 = arith.constant 2 : i32
      %mul3A_59 = arith.muli %mul3A_58, %scan3A_35 : i32
      %add3A_60 = arith.constant 1 : i32
      %add3A_61 = arith.addi %mul3A_59, %add3A_60 : i32
      %dma_wait3A_62 = arith.constant 0 : i32
      %dma_wait3A_63 = tpu.memref_slice %arg9[%add3A_61, %dma_wait3A_62] : memref<80x125xi32, #tpu.memory_space<vmem>> -> memref<1x125xi32, #tpu.memory_space<vmem>>
      %dma_wait3A_64 = tpu.memref_squeeze %dma_wait3A_63 : memref<1x125xi32, #tpu.memory_space<vmem>> -> memref<125xi32, #tpu.memory_space<vmem>>
      %dma_wait3A_65 = arith.constant 0 : i32
      %dma_wait3A_66 = arith.constant 0 : i32
      %dma_wait3A_67 = tpu.memref_slice %arg8[%dma_wait3A_65, %dma_wait3A_66] : memref<10000x64xf32, #tpu.memory_space<vmem_shared>> -> memref<10000x64xf32, #tpu.memory_space<vmem_shared>>
      tpu.wait_indirect_dma semaphore(%arg14 : memref<!tpu.dma_semaphore, #tpu.memory_space<semaphore_mem>>) src(%dma_wait3A_67 : memref<10000x64xf32, #tpu.memory_space<vmem_shared>>) dst(%arg12 : memref<125x64xf32, #tpu.memory_space<vmem>>)
      %ge3A_68 = arith.constant 1 : i32
      %ge3A_69 = arith.cmpi sge, %add3A_61, %ge3A_68 : i32
      %convert_element_type3A_70 = arith.extui %ge3A_69 : i1 to i32
      %cond3A_71 = arith.constant 0 : i32
      %cond3A_72 = arith.cmpi ne, %convert_element_type3A_70, %cond3A_71 : i32
      scf.if %cond3A_72 {
        %sub3A = arith.constant 1 : i32
        %sub3A_86 = arith.subi %add3A_61, %sub3A : i32
        %dma_wait3A_87 = arith.constant 0 : i32
        %dma_wait3A_88 = tpu.memref_slice %arg10[%sub3A_86, %dma_wait3A_87] : memref<80x125xi32, #tpu.memory_space<vmem>> -> memref<1x125xi32, #tpu.memory_space<vmem>>
        %dma_wait3A_89 = tpu.memref_squeeze %dma_wait3A_88 : memref<1x125xi32, #tpu.memory_space<vmem>> -> memref<125xi32, #tpu.memory_space<vmem>>
        %dma_wait3A_90 = arith.constant 0 : i32
        %dma_wait3A_91 = arith.constant 0 : i32
        %dma_wait3A_92 = tpu.memref_slice %arg7[%dma_wait3A_90, %dma_wait3A_91] : memref<10240x64xf32, #tpu.memory_space<vmem_shared>> -> memref<10240x64xf32, #tpu.memory_space<vmem_shared>>
        tpu.wait_indirect_dma semaphore(%arg15 : memref<!tpu.dma_semaphore, #tpu.memory_space<semaphore_mem>>) src(%arg11 : memref<125x64xf32, #tpu.memory_space<vmem>>) dst(%dma_wait3A_92 : memref<10240x64xf32, #tpu.memory_space<vmem_shared>>)
      } else {
      }
      %dma_start3A_73 = arith.constant 0 : i32
      %dma_start3A_74 = tpu.memref_slice %arg10[%add3A_61, %dma_start3A_73] : memref<80x125xi32, #tpu.memory_space<vmem>> -> memref<1x125xi32, #tpu.memory_space<vmem>>
      %dma_start3A_75 = tpu.memref_squeeze %dma_start3A_74 : memref<1x125xi32, #tpu.memory_space<vmem>> -> memref<125xi32, #tpu.memory_space<vmem>>
      %dma_start3A_76 = arith.constant 0 : i32
      %dma_start3A_77 = arith.constant 0 : i32
      %dma_start3A_78 = tpu.memref_slice %arg7[%dma_start3A_76, %dma_start3A_77] : memref<10240x64xf32, #tpu.memory_space<vmem_shared>> -> memref<10240x64xf32, #tpu.memory_space<vmem_shared>>
      tpu.enqueue_indirect_dma source(%arg12 : memref<125x64xf32, #tpu.memory_space<vmem>>) target(%dma_start3A_78 : memref<10240x64xf32, #tpu.memory_space<vmem_shared>>) offsets(%dma_start3A_75 : memref<125xi32, #tpu.memory_space<vmem>>) semaphore(%arg16 : memref<!tpu.dma_semaphore, #tpu.memory_space<semaphore_mem>>) {add = true}
      %add3A_79 = arith.constant 1 : i32
      %add3A_80 = arith.addi %add3A_61, %add3A_79 : i32
      %lt3A_81 = arith.constant 80 : i32
      %lt3A_82 = arith.cmpi slt, %add3A_80, %lt3A_81 : i32
      %convert_element_type3A_83 = arith.extui %lt3A_82 : i1 to i32
      %cond3A_84 = arith.constant 0 : i32
      %cond3A_85 = arith.cmpi ne, %convert_element_type3A_83, %cond3A_84 : i32
      scf.if %cond3A_85 {
        %add3A_86 = arith.constant 1 : i32
        %add3A_87 = arith.addi %add3A_61, %add3A_86 : i32
        %dma_start3A_88 = arith.constant 0 : i32
        %dma_start3A_89 = tpu.memref_slice %arg9[%add3A_87, %dma_start3A_88] : memref<80x125xi32, #tpu.memory_space<vmem>> -> memref<1x125xi32, #tpu.memory_space<vmem>>
        %dma_start3A_90 = tpu.memref_squeeze %dma_start3A_89 : memref<1x125xi32, #tpu.memory_space<vmem>> -> memref<125xi32, #tpu.memory_space<vmem>>
        %dma_start3A_91 = arith.constant 0 : i32
        %dma_start3A_92 = arith.constant 0 : i32
        %dma_start3A_93 = tpu.memref_slice %arg8[%dma_start3A_91, %dma_start3A_92] : memref<10000x64xf32, #tpu.memory_space<vmem_shared>> -> memref<10000x64xf32, #tpu.memory_space<vmem_shared>>
        tpu.enqueue_indirect_dma source(%dma_start3A_93 : memref<10000x64xf32, #tpu.memory_space<vmem_shared>>) target(%arg11 : memref<125x64xf32, #tpu.memory_space<vmem>>) offsets(%dma_start3A_90 : memref<125xi32, #tpu.memory_space<vmem>>) semaphore(%arg13 : memref<!tpu.dma_semaphore, #tpu.memory_space<semaphore_mem>>)
      } else {
      }
    }
    %scan3A_27 = arith.constant 40 : i32
    %dma_wait3A = arith.constant 79 : i32
    %dma_wait3A_28 = arith.constant 0 : i32
    %dma_wait3A_29 = tpu.memref_slice %arg10[%dma_wait3A, %dma_wait3A_28] : memref<80x125xi32, #tpu.memory_space<vmem>> -> memref<1x125xi32, #tpu.memory_space<vmem>>
    %dma_wait3A_30 = tpu.memref_squeeze %dma_wait3A_29 : memref<1x125xi32, #tpu.memory_space<vmem>> -> memref<125xi32, #tpu.memory_space<vmem>>
    %dma_wait3A_31 = arith.constant 0 : i32
    %dma_wait3A_32 = arith.constant 0 : i32
    %dma_wait3A_33 = tpu.memref_slice %arg7[%dma_wait3A_31, %dma_wait3A_32] : memref<10240x64xf32, #tpu.memory_space<vmem_shared>> -> memref<10240x64xf32, #tpu.memory_space<vmem_shared>>
    tpu.wait_indirect_dma semaphore(%arg16 : memref<!tpu.dma_semaphore, #tpu.memory_space<semaphore_mem>>) src(%arg12 : memref<125x64xf32, #tpu.memory_space<vmem>>) dst(%dma_wait3A_33 : memref<10240x64xf32, #tpu.memory_space<vmem_shared>>)
    %barrier3A_34 = arith.constant 0 : index
    tpu.barrier barrier_id(%barrier3A_34)
    "tpu.region"() ({
      %run_scoped3A = tpu.sem_alloc : memref<!tpu.dma_semaphore, #tpu.memory_space<semaphore_mem>>
      %dma_start3A_35 = arith.constant 0 : i32
      %dma_start3A_36 = arith.constant 0 : i32
      %dma_start3A_37 = tpu.memref_slice %arg6[%arg0, %dma_start3A_35, %dma_start3A_36] : memref<2x10240x64xf32, #tpu.memory_space<hbm>> -> memref<1x10240x64xf32, #tpu.memory_space<hbm>>
      %dma_start3A_38 = tpu.memref_squeeze %dma_start3A_37 : memref<1x10240x64xf32, #tpu.memory_space<hbm>> -> memref<10240x64xf32, #tpu.memory_space<hbm>>
      %dma_start3A_39 = arith.constant 0 : i32
      %dma_start3A_40 = tpu.memref_slice %dma_start3A_38[%mul3A_6, %dma_start3A_39] : memref<10240x64xf32, #tpu.memory_space<hbm>> -> memref<640x64xf32, #tpu.memory_space<hbm>>
      %dma_start3A_41 = arith.constant 0 : i32
      %dma_start3A_42 = tpu.memref_slice %arg7[%mul3A_6, %dma_start3A_41] : memref<10240x64xf32, #tpu.memory_space<vmem_shared>> -> memref<640x64xf32, #tpu.memory_space<vmem_shared>>
      tpu.enqueue_dma source(%dma_start3A_42 : memref<640x64xf32, #tpu.memory_space<vmem_shared>>) target(%dma_start3A_40 : memref<640x64xf32, #tpu.memory_space<hbm>>) target_semaphore(%run_scoped3A : memref<!tpu.dma_semaphore, #tpu.memory_space<semaphore_mem>>)
      %dma_wait3A_43 = arith.constant 0 : i32
      %dma_wait3A_44 = arith.constant 0 : i32
      %dma_wait3A_45 = tpu.memref_slice %arg6[%arg0, %dma_wait3A_43, %dma_wait3A_44] : memref<2x10240x64xf32, #tpu.memory_space<hbm>> -> memref<1x10240x64xf32, #tpu.memory_space<hbm>>
      %dma_wait3A_46 = tpu.memref_squeeze %dma_wait3A_45 : memref<1x10240x64xf32, #tpu.memory_space<hbm>> -> memref<10240x64xf32, #tpu.memory_space<hbm>>
      %dma_wait3A_47 = arith.constant 0 : i32
      %dma_wait3A_48 = tpu.memref_slice %dma_wait3A_46[%mul3A_6, %dma_wait3A_47] : memref<10240x64xf32, #tpu.memory_space<hbm>> -> memref<640x64xf32, #tpu.memory_space<hbm>>
      %dma_wait3A_49 = arith.constant 0 : i32
      %dma_wait3A_50 = tpu.memref_slice %arg7[%mul3A_6, %dma_wait3A_49] : memref<10240x64xf32, #tpu.memory_space<vmem_shared>> -> memref<640x64xf32, #tpu.memory_space<vmem_shared>>
      tpu.wait_dma2 semaphore(%run_scoped3A : memref<!tpu.dma_semaphore, #tpu.memory_space<semaphore_mem>>) src(%dma_wait3A_50 : memref<640x64xf32, #tpu.memory_space<vmem_shared>>) dst(%dma_wait3A_48 : memref<640x64xf32, #tpu.memory_space<hbm>>)
      tpu.yield
    }) : () -> ()
    return
  }
}

module attributes {stable_mosaic.version = 14 : i64} {
  func.func @body(%arg0: i32, %arg1: memref<1000x128xf32, #tpu.memory_space<vmem>>, %arg2: memref<128x64xf32, #tpu.memory_space<vmem>>, %arg3: memref<2x1000x16xf32, #tpu.memory_space<vmem>>, %arg4: memref<1000x64xf32, #tpu.memory_space<vmem>>, %arg5: memref<1000x64xf32, #tpu.memory_space<vmem>>, %arg6: memref<1000x16xf32, #tpu.memory_space<vmem>>, %arg7: memref<1000x16xf32, #tpu.memory_space<vmem>>) attributes {dimension_semantics = [#tpu.dimension_semantics<arbitrary>], iteration_bounds = array<i64: 10>, scalar_prefetch = 0 : i64, scratch_operands = 0 : i64, tpu.core_type = #tpu.core_type<tc>, window_params = [{transform_indices = @transform_0, window_bounds = array<i64: 1000, 128>}, {pipeline_mode = #tpu.pipeline_mode<synchronous>, transform_indices = @transform_1, window_bounds = array<i64: 128, 64>}, {transform_indices = @transform_2, window_bounds = array<i64: 2, 1000, 16>}, {transform_indices = @transform_3, window_bounds = array<i64: 1000, 64>}, {transform_indices = @transform_4, window_bounds = array<i64: 1000, 64>}, {transform_indices = @transform_5, window_bounds = array<i64: 1000, 16>}, {transform_indices = @transform_6, window_bounds = array<i64: 1000, 16>}]} {
    %get3A = arith.constant 0 : index
    %get3A_0 = arith.constant 0 : index
    %get3A_1 = vector.load %arg1[%get3A, %get3A_0] : memref<1000x128xf32, #tpu.memory_space<vmem>>, vector<1000x128xf32>
    %get3A_2 = arith.constant 0 : index
    %get3A_3 = arith.constant 0 : index
    %get3A_4 = vector.load %arg2[%get3A_2, %get3A_3] : memref<128x64xf32, #tpu.memory_space<vmem>>, vector<128x64xf32>
    %dot_general3A = arith.constant dense<0.000000e+00> : vector<1000x64xf32>
    %dot_general3A_5 = tpu.matmul %get3A_1, %get3A_4, %dot_general3A {dimension_numbers = #tpu.dot_dimension_numbers<[1], [0], [0], [1], [0, 0, 1, 1], [], []>, transpose_lhs_hint = false} : vector<1000x128xf32>, vector<128x64xf32>, vector<1000x64xf32> -> vector<1000x64xf32>
    %get3A_6 = arith.constant 0 : index
    %get3A_7 = arith.constant 0 : index
    %get3A_8 = arith.constant 0 : index
    %get3A_9 = vector.load %arg3[%get3A_6, %get3A_7, %get3A_8] : memref<2x1000x16xf32, #tpu.memory_space<vmem>>, vector<1x1000x16xf32>
    %get3A_10 = vector.shape_cast %get3A_9 : vector<1x1000x16xf32> to vector<1000x16xf32>
    %get3A_11 = arith.constant 1 : index
    %get3A_12 = arith.constant 0 : index
    %get3A_13 = arith.constant 0 : index
    %get3A_14 = vector.load %arg3[%get3A_11, %get3A_12, %get3A_13] : memref<2x1000x16xf32, #tpu.memory_space<vmem>>, vector<1x1000x16xf32>
    %get3A_15 = vector.shape_cast %get3A_14 : vector<1x1000x16xf32> to vector<1000x16xf32>
    %add3A = arith.addf %get3A_10, %get3A_15 : vector<1000x16xf32>
    %add3A_16 = arith.constant 1.000000e+00 : f32
    %add3A_17 = vector.broadcast %add3A_16 : f32 to vector<1000x16xf32>
    %add3A_18 = arith.addf %add3A, %add3A_17 : vector<1000x16xf32>
    %rsqrt3A = math.rsqrt %add3A_18 : vector<1000x16xf32>
    %div3A = arith.constant 1.000000e+00 : f32
    %div3A_19 = vector.broadcast %div3A : f32 to vector<1000x16xf32>
    %div3A_20 = arith.divf %div3A_19, %add3A_18 : vector<1000x16xf32>
    %swap3A = arith.constant 0 : index
    %swap3A_21 = arith.constant 0 : index
    %swap3A_22 = vector.load %arg4[%swap3A, %swap3A_21] : memref<1000x64xf32, #tpu.memory_space<vmem>>, vector<1000x64xf32>
    tpu.vector_store %arg4[%swap3A, %swap3A_21], %dot_general3A_5 {strides = array<i32>} : memref<1000x64xf32, #tpu.memory_space<vmem>>, vector<1000x64xf32>,
    %slice3A = vector.extract_strided_slice %rsqrt3A {offsets = [0, 0], sizes = [1000, 1], strides = [1, 1]} : vector<1000x16xf32> to vector<1000x1xf32>
    %mul3A = vector.broadcast %slice3A : vector<1000x1xf32> to vector<1000x64xf32>
    %mul3A_23 = arith.mulf %dot_general3A_5, %mul3A : vector<1000x64xf32>
    %swap3A_24 = arith.constant 0 : index
    %swap3A_25 = arith.constant 0 : index
    %swap3A_26 = vector.load %arg5[%swap3A_24, %swap3A_25] : memref<1000x64xf32, #tpu.memory_space<vmem>>, vector<1000x64xf32>
    tpu.vector_store %arg5[%swap3A_24, %swap3A_25], %mul3A_23 {strides = array<i32>} : memref<1000x64xf32, #tpu.memory_space<vmem>>, vector<1000x64xf32>,
    %swap3A_27 = arith.constant 0 : index
    %swap3A_28 = arith.constant 0 : index
    %swap3A_29 = vector.load %arg6[%swap3A_27, %swap3A_28] : memref<1000x16xf32, #tpu.memory_space<vmem>>, vector<1000x16xf32>
    tpu.vector_store %arg6[%swap3A_27, %swap3A_28], %rsqrt3A {strides = array<i32>} : memref<1000x16xf32, #tpu.memory_space<vmem>>, vector<1000x16xf32>,
    %swap3A_30 = arith.constant 0 : index
    %swap3A_31 = arith.constant 0 : index
    %swap3A_32 = vector.load %arg7[%swap3A_30, %swap3A_31] : memref<1000x16xf32, #tpu.memory_space<vmem>>, vector<1000x16xf32>
    tpu.vector_store %arg7[%swap3A_30, %swap3A_31], %div3A_20 {strides = array<i32>} : memref<1000x16xf32, #tpu.memory_space<vmem>>, vector<1000x16xf32>,
    return
  }
  func.func @transform_0(%arg0: i32) -> (i32, i32) {
    %c0_i32 = arith.constant 0 : i32
    %c0_i32_0 = arith.constant 0 : i32
    return %arg0, %c0_i32 : i32, i32
  }
  func.func @transform_1(%arg0: i32) -> (i32, i32) {
    %c0_i32 = arith.constant 0 : i32
    %c0_i32_0 = arith.constant 0 : i32
    %c0_i32_1 = arith.constant 0 : i32
    return %c0_i32, %c0_i32_0 : i32, i32
  }
  func.func @transform_2(%arg0: i32) -> (i32, i32, i32) {
    %c0_i32 = arith.constant 0 : i32
    %c0_i32_0 = arith.constant 0 : i32
    %c0_i32_1 = arith.constant 0 : i32
    return %c0_i32, %arg0, %c0_i32_0 : i32, i32, i32
  }
  func.func @transform_3(%arg0: i32) -> (i32, i32) {
    %c0_i32 = arith.constant 0 : i32
    %c0_i32_0 = arith.constant 0 : i32
    return %arg0, %c0_i32 : i32, i32
  }
  func.func @transform_4(%arg0: i32) -> (i32, i32) {
    %c0_i32 = arith.constant 0 : i32
    %c0_i32_0 = arith.constant 0 : i32
    return %arg0, %c0_i32 : i32, i32
  }
  func.func @transform_5(%arg0: i32) -> (i32, i32) {
    %c0_i32 = arith.constant 0 : i32
    %c0_i32_0 = arith.constant 0 : i32
    return %arg0, %c0_i32 : i32, i32
  }
  func.func @transform_6(%arg0: i32) -> (i32, i32) {
    %c0_i32 = arith.constant 0 : i32
    %c0_i32_0 = arith.constant 0 : i32
    return %arg0, %c0_i32 : i32, i32
  }
}

module attributes {stable_mosaic.version = 14 : i64} {
  func.func @body(%arg0: i32, %arg1: memref<2x1000x64xf32, #tpu.memory_space<vmem>>, %arg2: memref<1000x64xf32, #tpu.memory_space<vmem>>, %arg3: memref<1000x16xf32, #tpu.memory_space<vmem>>, %arg4: memref<1000x16xf32, #tpu.memory_space<vmem>>, %arg5: memref<1x64xf32, #tpu.memory_space<vmem>>, %arg6: memref<1000x64xf32, #tpu.memory_space<vmem>>, %arg7: memref<1000x64xf32, #tpu.memory_space<vmem>>) attributes {dimension_semantics = [#tpu.dimension_semantics<arbitrary>], iteration_bounds = array<i64: 10>, scalar_prefetch = 0 : i64, scratch_operands = 0 : i64, tpu.core_type = #tpu.core_type<tc>, window_params = [{transform_indices = @transform_0, window_bounds = array<i64: 2, 1000, 64>}, {transform_indices = @transform_1, window_bounds = array<i64: 1000, 64>}, {transform_indices = @transform_2, window_bounds = array<i64: 1000, 16>}, {transform_indices = @transform_3, window_bounds = array<i64: 1000, 16>}, {pipeline_mode = #tpu.pipeline_mode<synchronous>, transform_indices = @transform_4, window_bounds = array<i64: 1, 64>}, {transform_indices = @transform_5, window_bounds = array<i64: 1000, 64>}, {transform_indices = @transform_6, window_bounds = array<i64: 1000, 64>}]} {
    %get3A = arith.constant 0 : index
    %get3A_0 = arith.constant 0 : index
    %get3A_1 = vector.load %arg3[%get3A, %get3A_0] : memref<1000x16xf32, #tpu.memory_space<vmem>>, vector<1000x1xf32>
    %get3A_2 = arith.constant 0 : index
    %get3A_3 = arith.constant 0 : index
    %get3A_4 = arith.constant 0 : index
    %get3A_5 = vector.load %arg1[%get3A_2, %get3A_3, %get3A_4] : memref<2x1000x64xf32, #tpu.memory_space<vmem>>, vector<1x1000x64xf32>
    %get3A_6 = vector.shape_cast %get3A_5 : vector<1x1000x64xf32> to vector<1000x64xf32>
    %get3A_7 = arith.constant 1 : index
    %get3A_8 = arith.constant 0 : index
    %get3A_9 = arith.constant 0 : index
    %get3A_10 = vector.load %arg1[%get3A_7, %get3A_8, %get3A_9] : memref<2x1000x64xf32, #tpu.memory_space<vmem>>, vector<1x1000x64xf32>
    %get3A_11 = vector.shape_cast %get3A_10 : vector<1x1000x64xf32> to vector<1000x64xf32>
    %add3A = arith.addf %get3A_6, %get3A_11 : vector<1000x64xf32>
    %mul3A = vector.broadcast %get3A_1 : vector<1000x1xf32> to vector<1000x64xf32>
    %mul3A_12 = arith.mulf %mul3A, %add3A : vector<1000x64xf32>
    %get3A_13 = arith.constant 0 : index
    %get3A_14 = arith.constant 0 : index
    %get3A_15 = vector.load %arg2[%get3A_13, %get3A_14] : memref<1000x64xf32, #tpu.memory_space<vmem>>, vector<1000x64xf32>
    %get3A_16 = arith.constant 0 : index
    %get3A_17 = arith.constant 0 : index
    %get3A_18 = vector.load %arg4[%get3A_16, %get3A_17] : memref<1000x16xf32, #tpu.memory_space<vmem>>, vector<1000x1xf32>
    %mul3A_19 = vector.broadcast %get3A_18 : vector<1000x1xf32> to vector<1000x64xf32>
    %mul3A_20 = arith.mulf %get3A_15, %mul3A_19 : vector<1000x64xf32>
    %add3A_21 = arith.addf %mul3A_12, %mul3A_20 : vector<1000x64xf32>
    %get3A_22 = arith.constant 0 : index
    %get3A_23 = arith.constant 0 : index
    %get3A_24 = vector.load %arg5[%get3A_22, %get3A_23] : memref<1x64xf32, #tpu.memory_space<vmem>>, vector<1x64xf32>
    %add3A_25 = vector.broadcast %get3A_24 : vector<1x64xf32> to vector<1000x64xf32>
    %add3A_26 = arith.addf %add3A_21, %add3A_25 : vector<1000x64xf32>
    %swap3A = arith.constant 0 : index
    %swap3A_27 = arith.constant 0 : index
    %swap3A_28 = vector.load %arg6[%swap3A, %swap3A_27] : memref<1000x64xf32, #tpu.memory_space<vmem>>, vector<1000x64xf32>
    tpu.vector_store %arg6[%swap3A, %swap3A_27], %add3A_26 {strides = array<i32>} : memref<1000x64xf32, #tpu.memory_space<vmem>>, vector<1000x64xf32>,
    %mul3A_29 = vector.broadcast %get3A_1 : vector<1000x1xf32> to vector<1000x64xf32>
    %mul3A_30 = arith.mulf %add3A_26, %mul3A_29 : vector<1000x64xf32>
    %swap3A_31 = arith.constant 0 : index
    %swap3A_32 = arith.constant 0 : index
    %swap3A_33 = vector.load %arg7[%swap3A_31, %swap3A_32] : memref<1000x64xf32, #tpu.memory_space<vmem>>, vector<1000x64xf32>
    tpu.vector_store %arg7[%swap3A_31, %swap3A_32], %mul3A_30 {strides = array<i32>} : memref<1000x64xf32, #tpu.memory_space<vmem>>, vector<1000x64xf32>,
    return
  }
  func.func @transform_0(%arg0: i32) -> (i32, i32, i32) {
    %c0_i32 = arith.constant 0 : i32
    %c0_i32_0 = arith.constant 0 : i32
    %c0_i32_1 = arith.constant 0 : i32
    return %c0_i32, %arg0, %c0_i32_0 : i32, i32, i32
  }
  func.func @transform_1(%arg0: i32) -> (i32, i32) {
    %c0_i32 = arith.constant 0 : i32
    %c0_i32_0 = arith.constant 0 : i32
    return %arg0, %c0_i32 : i32, i32
  }
  func.func @transform_2(%arg0: i32) -> (i32, i32) {
    %c0_i32 = arith.constant 0 : i32
    %c0_i32_0 = arith.constant 0 : i32
    return %arg0, %c0_i32 : i32, i32
  }
  func.func @transform_3(%arg0: i32) -> (i32, i32) {
    %c0_i32 = arith.constant 0 : i32
    %c0_i32_0 = arith.constant 0 : i32
    return %arg0, %c0_i32 : i32, i32
  }
  func.func @transform_4(%arg0: i32) -> (i32, i32) {
    %c0_i32 = arith.constant 0 : i32
    %c0_i32_0 = arith.constant 0 : i32
    %c0_i32_1 = arith.constant 0 : i32
    return %c0_i32, %c0_i32_0 : i32, i32
  }
  func.func @transform_5(%arg0: i32) -> (i32, i32) {
    %c0_i32 = arith.constant 0 : i32
    %c0_i32_0 = arith.constant 0 : i32
    return %arg0, %c0_i32 : i32, i32
  }
  func.func @transform_6(%arg0: i32) -> (i32, i32) {
    %c0_i32 = arith.constant 0 : i32
    %c0_i32_0 = arith.constant 0 : i32
    return %arg0, %c0_i32 : i32, i32
  }
}

module attributes {stable_mosaic.version = 14 : i64} {
  func.func @body(%arg0: i32, %arg1: memref<2x1000x64xf32, #tpu.memory_space<vmem>>, %arg2: memref<1000x64xf32, #tpu.memory_space<vmem>>, %arg3: memref<1000x16xf32, #tpu.memory_space<vmem>>, %arg4: memref<1000x16xf32, #tpu.memory_space<vmem>>, %arg5: memref<64x32xf32, #tpu.memory_space<vmem>>, %arg6: memref<1x32xf32, #tpu.memory_space<vmem>>, %arg7: memref<64x32xf32, #tpu.memory_space<vmem>>, %arg8: memref<1x32xf32, #tpu.memory_space<vmem>>, %arg9: memref<1000x32xf32, #tpu.memory_space<vmem>>, %arg10: memref<1000x32xf32, #tpu.memory_space<vmem>>) attributes {dimension_semantics = [#tpu.dimension_semantics<arbitrary>], iteration_bounds = array<i64: 10>, scalar_prefetch = 0 : i64, scratch_operands = 0 : i64, tpu.core_type = #tpu.core_type<tc>, window_params = [{transform_indices = @transform_0, window_bounds = array<i64: 2, 1000, 64>}, {transform_indices = @transform_1, window_bounds = array<i64: 1000, 64>}, {transform_indices = @transform_2, window_bounds = array<i64: 1000, 16>}, {transform_indices = @transform_3, window_bounds = array<i64: 1000, 16>}, {pipeline_mode = #tpu.pipeline_mode<synchronous>, transform_indices = @transform_4, window_bounds = array<i64: 64, 32>}, {pipeline_mode = #tpu.pipeline_mode<synchronous>, transform_indices = @transform_5, window_bounds = array<i64: 1, 32>}, {pipeline_mode = #tpu.pipeline_mode<synchronous>, transform_indices = @transform_6, window_bounds = array<i64: 64, 32>}, {pipeline_mode = #tpu.pipeline_mode<synchronous>, transform_indices = @transform_7, window_bounds = array<i64: 1, 32>}, {transform_indices = @transform_8, window_bounds = array<i64: 1000, 32>}, {transform_indices = @transform_9, window_bounds = array<i64: 1000, 32>}]} {
    %get3A = arith.constant 0 : index
    %get3A_0 = arith.constant 0 : index
    %get3A_1 = vector.load %arg3[%get3A, %get3A_0] : memref<1000x16xf32, #tpu.memory_space<vmem>>, vector<1000x1xf32>
    %get3A_2 = arith.constant 0 : index
    %get3A_3 = arith.constant 0 : index
    %get3A_4 = arith.constant 0 : index
    %get3A_5 = vector.load %arg1[%get3A_2, %get3A_3, %get3A_4] : memref<2x1000x64xf32, #tpu.memory_space<vmem>>, vector<1x1000x64xf32>
    %get3A_6 = vector.shape_cast %get3A_5 : vector<1x1000x64xf32> to vector<1000x64xf32>
    %get3A_7 = arith.constant 1 : index
    %get3A_8 = arith.constant 0 : index
    %get3A_9 = arith.constant 0 : index
    %get3A_10 = vector.load %arg1[%get3A_7, %get3A_8, %get3A_9] : memref<2x1000x64xf32, #tpu.memory_space<vmem>>, vector<1x1000x64xf32>
    %get3A_11 = vector.shape_cast %get3A_10 : vector<1x1000x64xf32> to vector<1000x64xf32>
    %add3A = arith.addf %get3A_6, %get3A_11 : vector<1000x64xf32>
    %mul3A = vector.broadcast %get3A_1 : vector<1000x1xf32> to vector<1000x64xf32>
    %mul3A_12 = arith.mulf %mul3A, %add3A : vector<1000x64xf32>
    %get3A_13 = arith.constant 0 : index
    %get3A_14 = arith.constant 0 : index
    %get3A_15 = vector.load %arg2[%get3A_13, %get3A_14] : memref<1000x64xf32, #tpu.memory_space<vmem>>, vector<1000x64xf32>
    %get3A_16 = arith.constant 0 : index
    %get3A_17 = arith.constant 0 : index
    %get3A_18 = vector.load %arg4[%get3A_16, %get3A_17] : memref<1000x16xf32, #tpu.memory_space<vmem>>, vector<1000x1xf32>
    %mul3A_19 = vector.broadcast %get3A_18 : vector<1000x1xf32> to vector<1000x64xf32>
    %mul3A_20 = arith.mulf %get3A_15, %mul3A_19 : vector<1000x64xf32>
    %add3A_21 = arith.addf %mul3A_12, %mul3A_20 : vector<1000x64xf32>
    %get3A_22 = arith.constant 0 : index
    %get3A_23 = arith.constant 0 : index
    %get3A_24 = vector.load %arg5[%get3A_22, %get3A_23] : memref<64x32xf32, #tpu.memory_space<vmem>>, vector<64x32xf32>
    %dot_general3A = arith.constant dense<0.000000e+00> : vector<1000x32xf32>
    %dot_general3A_25 = tpu.matmul %add3A_21, %get3A_24, %dot_general3A {dimension_numbers = #tpu.dot_dimension_numbers<[1], [0], [0], [1], [0, 0, 1, 1], [], []>, transpose_lhs_hint = false} : vector<1000x64xf32>, vector<64x32xf32>, vector<1000x32xf32> -> vector<1000x32xf32>
    %get3A_26 = arith.constant 0 : index
    %get3A_27 = arith.constant 0 : index
    %get3A_28 = vector.load %arg6[%get3A_26, %get3A_27] : memref<1x32xf32, #tpu.memory_space<vmem>>, vector<1x32xf32>
    %add3A_29 = vector.broadcast %get3A_28 : vector<1x32xf32> to vector<1000x32xf32>
    %add3A_30 = arith.addf %dot_general3A_25, %add3A_29 : vector<1000x32xf32>
    %get3A_31 = arith.constant 0 : index
    %get3A_32 = arith.constant 0 : index
    %get3A_33 = vector.load %arg7[%get3A_31, %get3A_32] : memref<64x32xf32, #tpu.memory_space<vmem>>, vector<64x32xf32>
    %dot_general3A_34 = arith.constant dense<0.000000e+00> : vector<1000x32xf32>
    %dot_general3A_35 = tpu.matmul %add3A_21, %get3A_33, %dot_general3A_34 {dimension_numbers = #tpu.dot_dimension_numbers<[1], [0], [0], [1], [0, 0, 1, 1], [], []>, transpose_lhs_hint = false} : vector<1000x64xf32>, vector<64x32xf32>, vector<1000x32xf32> -> vector<1000x32xf32>
    %get3A_36 = arith.constant 0 : index
    %get3A_37 = arith.constant 0 : index
    %get3A_38 = vector.load %arg8[%get3A_36, %get3A_37] : memref<1x32xf32, #tpu.memory_space<vmem>>, vector<1x32xf32>
    %add3A_39 = vector.broadcast %get3A_38 : vector<1x32xf32> to vector<1000x32xf32>
    %add3A_40 = arith.addf %dot_general3A_35, %add3A_39 : vector<1000x32xf32>
    %get3A_41 = arith.constant 0 : index
    %get3A_42 = arith.constant 0 : index
    %get3A_43 = vector.load %arg9[%get3A_41, %get3A_42] : memref<1000x32xf32, #tpu.memory_space<vmem>>, vector<1000x32xf32>
    %exp3A = math.exp %add3A_40 : vector<1000x32xf32>
    %mul3A_44 = arith.mulf %get3A_43, %exp3A : vector<1000x32xf32>
    %add3A_45 = arith.addf %add3A_30, %mul3A_44 : vector<1000x32xf32>
    %swap3A = arith.constant 0 : index
    %swap3A_46 = arith.constant 0 : index
    %swap3A_47 = vector.load %arg10[%swap3A, %swap3A_46] : memref<1000x32xf32, #tpu.memory_space<vmem>>, vector<1000x32xf32>
    tpu.vector_store %arg10[%swap3A, %swap3A_46], %add3A_45 {strides = array<i32>} : memref<1000x32xf32, #tpu.memory_space<vmem>>, vector<1000x32xf32>,
    return
  }
  func.func @transform_0(%arg0: i32) -> (i32, i32, i32) {
    %c0_i32 = arith.constant 0 : i32
    %c0_i32_0 = arith.constant 0 : i32
    %c0_i32_1 = arith.constant 0 : i32
    return %c0_i32, %arg0, %c0_i32_0 : i32, i32, i32
  }
  func.func @transform_1(%arg0: i32) -> (i32, i32) {
    %c0_i32 = arith.constant 0 : i32
    %c0_i32_0 = arith.constant 0 : i32
    return %arg0, %c0_i32 : i32, i32
  }
  func.func @transform_2(%arg0: i32) -> (i32, i32) {
    %c0_i32 = arith.constant 0 : i32
    %c0_i32_0 = arith.constant 0 : i32
    return %arg0, %c0_i32 : i32, i32
  }
  func.func @transform_3(%arg0: i32) -> (i32, i32) {
    %c0_i32 = arith.constant 0 : i32
    %c0_i32_0 = arith.constant 0 : i32
    return %arg0, %c0_i32 : i32, i32
  }
  func.func @transform_4(%arg0: i32) -> (i32, i32) {
    %c0_i32 = arith.constant 0 : i32
    %c0_i32_0 = arith.constant 0 : i32
    %c0_i32_1 = arith.constant 0 : i32
    return %c0_i32, %c0_i32_0 : i32, i32
  }
  func.func @transform_5(%arg0: i32) -> (i32, i32) {
    %c0_i32 = arith.constant 0 : i32
    %c0_i32_0 = arith.constant 0 : i32
    %c0_i32_1 = arith.constant 0 : i32
    return %c0_i32, %c0_i32_0 : i32, i32
  }
  func.func @transform_6(%arg0: i32) -> (i32, i32) {
    %c0_i32 = arith.constant 0 : i32
    %c0_i32_0 = arith.constant 0 : i32
    %c0_i32_1 = arith.constant 0 : i32
    return %c0_i32, %c0_i32_0 : i32, i32
  }
  func.func @transform_7(%arg0: i32) -> (i32, i32) {
    %c0_i32 = arith.constant 0 : i32
    %c0_i32_0 = arith.constant 0 : i32
    %c0_i32_1 = arith.constant 0 : i32
    return %c0_i32, %c0_i32_0 : i32, i32
  }
  func.func @transform_8(%arg0: i32) -> (i32, i32) {
    %c0_i32 = arith.constant 0 : i32
    %c0_i32_0 = arith.constant 0 : i32
    return %arg0, %c0_i32 : i32, i32
  }
  func.func @transform_9(%arg0: i32) -> (i32, i32) {
    %c0_i32 = arith.constant 0 : i32
    %c0_i32_0 = arith.constant 0 : i32
    return %arg0, %c0_i32 : i32, i32
  }
}

module attributes {stable_mosaic.version = 14 : i64} {
  func.func @body(%arg0: i32, %arg1: i32, %arg2: memref<1000x32xf32, #tpu.memory_space<vmem>>, %arg3: memref<1024x32xf32, #tpu.memory_space<vmem>>, %arg4: memref<1000x1024xf32, #tpu.memory_space<vmem>>) attributes {dimension_semantics = [#tpu.dimension_semantics<arbitrary>, #tpu.dimension_semantics<arbitrary>], iteration_bounds = array<i64: 10, 10>, scalar_prefetch = 0 : i64, scratch_operands = 0 : i64, tpu.core_type = #tpu.core_type<tc>, window_params = [{transform_indices = @transform_0, window_bounds = array<i64: 1000, 32>}, {transform_indices = @transform_1, window_bounds = array<i64: 1024, 32>}, {transform_indices = @transform_2, window_bounds = array<i64: 1000, 1024>}]} {
    %get3A = arith.constant 0 : index
    %get3A_0 = arith.constant 0 : index
    %get3A_1 = vector.load %arg2[%get3A, %get3A_0] : memref<1000x32xf32, #tpu.memory_space<vmem>>, vector<1000x32xf32>
    %get3A_2 = arith.constant 0 : index
    %get3A_3 = arith.constant 0 : index
    %get3A_4 = vector.load %arg3[%get3A_2, %get3A_3] : memref<1024x32xf32, #tpu.memory_space<vmem>>, vector<1024x32xf32>
    %dot_general3A = arith.constant dense<0.000000e+00> : vector<1000x1024xf32>
    %dot_general3A_5 = tpu.matmul %get3A_1, %get3A_4, %dot_general3A {dimension_numbers = #tpu.dot_dimension_numbers<[1], [1], [0], [0], [0, 0, 1, 0], [], []>, transpose_lhs_hint = false} : vector<1000x32xf32>, vector<1024x32xf32>, vector<1000x1024xf32> -> vector<1000x1024xf32>
    %neg3A = arith.constant 0.000000e+00 : f32
    %neg3A_6 = vector.broadcast %neg3A : f32 to vector<1000x1024xf32>
    %neg3A_7 = arith.subf %neg3A_6, %dot_general3A_5 : vector<1000x1024xf32>
    %exp3A = math.exp %neg3A_7 : vector<1000x1024xf32>
    %add3A = arith.constant 1.000000e+00 : f32
    %add3A_8 = vector.broadcast %add3A : f32 to vector<1000x1024xf32>
    %add3A_9 = arith.addf %add3A_8, %exp3A : vector<1000x1024xf32>
    %div3A = arith.constant 1.000000e+00 : f32
    %div3A_10 = vector.broadcast %div3A : f32 to vector<1000x1024xf32>
    %div3A_11 = arith.divf %div3A_10, %add3A_9 : vector<1000x1024xf32>
    %swap3A = arith.constant 0 : index
    %swap3A_12 = arith.constant 0 : index
    %swap3A_13 = vector.load %arg4[%swap3A, %swap3A_12] : memref<1000x1024xf32, #tpu.memory_space<vmem>>, vector<1000x1024xf32>
    tpu.vector_store %arg4[%swap3A, %swap3A_12], %div3A_11 {strides = array<i32>} : memref<1000x1024xf32, #tpu.memory_space<vmem>>, vector<1000x1024xf32>,
    return
  }
  func.func @transform_0(%arg0: i32, %arg1: i32) -> (i32, i32) {
    %c0_i32 = arith.constant 0 : i32
    %c0_i32_0 = arith.constant 0 : i32
    return %arg0, %c0_i32 : i32, i32
  }
  func.func @transform_1(%arg0: i32, %arg1: i32) -> (i32, i32) {
    %c0_i32 = arith.constant 0 : i32
    %c0_i32_0 = arith.constant 0 : i32
    return %arg1, %c0_i32 : i32, i32
  }
  func.func @transform_2(%arg0: i32, %arg1: i32) -> (i32, i32) {
    %c0_i32 = arith.constant 0 : i32
    return %arg0, %arg1 : i32, i32
  }
}

</mosaic_0001>

<sc_bundles>
// kernel: kernel.12.cloned.1.call-start
scs
__scs_entry_jumppad:
0x0: {  	(pc) =	sbr.rel $0x88, $3  }
0x1: {  	(tag) =	ssettag $0x0;
	lr =	simm.s32 $0x1  }
0x2: {  	[smem:$0x3F98] =	sst lr;
	_ =	strace $0xD0000000  }
0x3: {  	_ = 	snop  }
0x4: {  	_ = 	snop  }
0x5: {  	_ = 	snop  }
0x6: {  	_ = 	snop  }
0x7: {  	_ = 	snop  }
__scs_overlays_trampoline_lowered:
0x8: {  	[smem:$0x3FA7] =	sst s0  }
0x9: {  	[smem:$0x3FA8] =	sst s1  }
0xa: {  	[smem:$0x3FA9] =	sst s2  }
0xb: {  	[smem:$0x3FAA] =	sst s3  }
0xc: {  	[smem:$0x3FAB] =	sst s4  }
0xd: {  	[smem:$0x3FAC] =	sst s5  }
0xe: {  	[smem:$0x3FAD] =	sst s6  }
0xf: {  	[smem:$0x3FAE] =	sst s7  }
0x10: {  	[smem:$0x3FAF] =	sst s8  }
0x11: {  	[smem:$0x3FB0] =	sst s9;
	s0 =	simm.s32 @!p0 $0x0  }
0x12: {  	s1 =	sld [smem:$0x3F96];
	s0 =	simm.s32 @p0 $0x1  }
0x13: {  	[smem:$0x3FB1] =	sst s0;
	s0 =	simm.s32 @!p1 $0x0  }
0x14: {  	s2 =	sld [smem:$0x3F95];
	s0 =	simm.s32 @p1 $0x1  }
0x15: {  	[smem:$0x3FB2] =	sst s0;
	s0 =	simm.s32 @!p2 $0x0  }
0x16: {  	s3 =	sld [smem:$0x3FDB];
	s0 =	simm.s32 @p2 $0x1  }
0x17: {  	s4 =	simm.s32 $0x1BF5;
	[smem:$0x3FB4] =	sst s0  }
0x18: {  	s0 =	sld [smem:$0x3F97];
	_ =	swait.ge [sflag:s4], $0x0  }
0x19: {  	s7 =	sld [smem:$0x3F98]  }
0x1a: {  	s8 =	sadd.s32 $0xFFFFE003, lr  }
0x1b: {  	s9 =	sadd.s32 $0xFFFFFEF7, lr;
	s5 =	simm.s32 $0xFFFFFFFF;
	p2 =	slt.u32 s8, $0xFFFFF086  }
0x1c: {  	p1 =	slt.u32 s9, $0xF7A;
	s5 =	simm.s32 @!p2 $0x0  }
0x1d: {  	s5 =	simm.s32 @p1 $0x1;
	p0 =	seq.s32 s7, s2  }
0x1e: {  	s7 =	smul.u32 @!p0 $0xF7A, s2;
	p2 =	seq.s32 @!p0 s5, $0x0  }
0x1f: {  	s9 =	smul.u32 $0xF7A, s1;
	s8 =	simm.s32 @!p0 $0x1BF5;
	p2 =	por !p2, p0  }
0x20: {  	[sflag:s8] =	ssyncset.s32 @!p0 $0xFFFFF086;
	s6 =	sadd.s32 @!p0 s3, s7;
	s7 =	simm.s32 @!p0 $0x108  }
0x21: {  	s3 =	sadd.s32 s3, s9;
	s6 =	sadd.s32 @!p0 $0x88, s6;
	s7 =	simm.s32 @p2 $0x1082  }
0x22: {  	[simem:s7], [sflag:s8] =	dma.local @!p0 [hbm:s6], $0xF7A  }
0x23: {  	s9 =	sor.u32 $0xD0000000, s2;
	s6 =	simm.s32 $0x108;
	_ =	swait.ge @!p0 [sflag:s8], $0x0  }
0x24: {  	s3 =	sadd.s32 $0x88, s3;
	s6 =	simm.s32 @!p1 $0x1082;
	[sflag:s4] =	ssyncset.s32 $0xFFFFF086  }
0x25: {  	[simem:s6], [sflag:s4] =	dma.local [hbm:s3], $0xF7A  }
0x26: {  	[smem:$0x3F98] =	sst s1;
	(tag) =	ssettag s2;
	_ =	strace s9  }
0x27: {  	s1 =	sld [smem:$0x3FA8]  }
0x28: {  	s2 =	sld [smem:$0x3FA9]  }
0x29: {  	s4 =	sld [smem:$0x3FAB]  }
0x2a: {  	p0 =	seq.s32 s5, $0x0;
	s5 =	sld [smem:$0x3FAC]  }
0x2b: {  	s6 =	sld [smem:$0x3FAD]  }
0x2c: {  	s7 =	sld [smem:$0x3FAE]  }
0x2d: {  	s3 =	simm.s32 $0x108;
	s8 =	sld [smem:$0x3FAF]  }
0x2e: {  	s3 =	simm.s32 @!p0 $0x1082;
	s9 =	sld [smem:$0x3FB0]  }
0x2f: {  	lr =	sadd.s32 s0, s3;
	s0 =	sld [smem:$0x3FA7]  }
0x30: {  	s3 =	sld [smem:$0x3FAA]  }
0x31: {  	[smem:$0x3FB3] =	sst s10  }
0x32: {  	s10 =	sld [smem:$0x3FB1];
	_ =	sdelay $0x3  }
0x33: {  	p0 =	seq.s32 s10, $0x1;
	s10 =	sld [smem:$0x3FB3];
	_ =	sdelay $0x3  }
0x34: {  	[smem:$0x3FB3] =	sst s10  }
0x35: {  	s10 =	sld [smem:$0x3FB2];
	_ =	sdelay $0x3  }
0x36: {  	p1 =	seq.s32 s10, $0x1;
	s10 =	sld [smem:$0x3FB3];
	_ =	sdelay $0x3  }
0x37: {  	[smem:$0x3FB3] =	sst s10  }
0x38: {  	s10 =	sld [smem:$0x3FB4]  }
0x39: {  	_ = 	snop;
	(pc) =	sbr.ind lr, $3  }
0x3a: {  	_ = 	snop  }
0x3b: {  	_ = 	snop  }
0x3c: {  	p2 =	seq.s32 s10, $0x1;
	s10 =	sld [smem:$0x3FB3]  }
0x3d: {  	_ =	shalt  }
0x3e: {  	_ =	shalt  }
0x3f: {  	_ =	shalt  }
0x40: {  	_ =	shalt  }
0x41: {  	_ =	shalt  }
0x42: {  	_ =	shalt  }
0x43: {  	_ =	shalt  }
0x44: {  	_ =	shalt  }
0x45: {  	_ =	shalt  }
0x46: {  	_ =	shalt  }
0x47: {  	_ =	shalt  }
0x48: {  	_ =	shalt  }
0x49: {  	_ =	shalt  }
0x4a: {  	_ =	shalt  }
0x4b: {  	_ =	shalt  }
0x4c: {  	_ =	shalt  }
0x4d: {  	_ =	shalt  }
0x4e: {  	_ =	shalt  }
0x4f: {  	_ =	shalt  }
0x50: {  	_ =	shalt  }
0x51: {  	_ =	shalt  }
0x52: {  	_ =	shalt  }
0x53: {  	_ =	shalt  }
0x54: {  	_ =	shalt  }
0x55: {  	_ =	shalt  }
0x56: {  	_ =	shalt  }
0x57: {  	_ =	shalt  }
0x58: {  	_ =	shalt  }
0x59: {  	_ =	shalt  }
0x5a: {  	_ =	shalt  }
0x5b: {  	_ =	shalt  }
0x5c: {  	_ =	shalt  }
0x5d: {  	_ =	shalt  }
0x5e: {  	_ =	shalt  }
0x5f: {  	_ =	shalt  }
0x60: {  	_ =	shalt  }
0x61: {  	_ =	shalt  }
0x62: {  	_ =	shalt  }
0x63: {  	_ =	shalt  }
0x64: {  	_ =	shalt  }
0x65: {  	_ =	shalt  }
0x66: {  	_ =	shalt  }
0x67: {  	_ =	shalt  }
0x68: {  	_ =	shalt  }
0x69: {  	_ =	shalt  }
0x6a: {  	_ =	shalt  }
0x6b: {  	_ =	shalt  }
0x6c: {  	_ =	shalt  }
0x6d: {  	_ =	shalt  }
0x6e: {  	_ =	shalt  }
0x6f: {  	_ =	shalt  }
0x70: {  	_ =	shalt  }
0x71: {  	_ =	shalt  }
0x72: {  	_ =	shalt  }
0x73: {  	_ =	shalt  }
0x74: {  	_ =	shalt  }
0x75: {  	_ =	shalt  }
0x76: {  	_ =	shalt  }
0x77: {  	_ =	shalt  }
0x78: {  	_ =	shalt  }
0x79: {  	_ =	shalt  }
0x7a: {  	_ =	shalt  }
0x7b: {  	_ =	shalt  }
0x7c: {  	_ =	shalt  }
0x7d: {  	_ =	shalt  }
0x7e: {  	_ =	shalt  }
0x7f: {  	_ =	shalt  }
0x80: {  	_ =	shalt  }
0x81: {  	_ =	shalt  }
0x82: {  	_ =	shalt  }
0x83: {  	_ =	shalt  }
0x84: {  	_ =	shalt  }
0x85: {  	_ =	shalt  }
0x86: {  	_ =	shalt  }
0x87: {  	_ =	shalt  }
.Lfunc_end0:
.L_simem_size_0:
called_computation.1_lowered:
.L_overlay_start_0:
0x88: {  	s2 =	sld [smem:$0x3FD9]  }
0x89: {  	s3 =	sld [smem:$0x3FFE];
	_ =	sdelay $0x1  }
0x8a: {  	s1 =	srdreg.scid  }
0x8b: {  	s0 =	sand.u32 $0x1, s1  }
0x8c: {  	s17 =	sshll.u32 s0, $0xA;
	s2 =	sadd.s32 s3, s2  }
0x8d: {  	s2 =	sadd.s32 s2, s17  }
0x8e: {  	[smem:$0x3FBF] =	sst s2  }
0x8f: {  	_ = 	snop  }
0x90: {  	s2 =	sld [smem:$0x3FD0];
	(tm) =	ssettm $0x1  }
0x91: {  	s18 =	sld [smem:$0x3FFB];
	_ =	sdelay $0x3  }
0x92: {  	_ =	strace s18  }
0x93: {  	s3 =	sld [smem:$0x3FFC];
	_ =	sdelay $0x3  }
0x94: {  	_ =	strace s3  }
0x95: {  	s3 =	sld [smem:$0x3FFD];
	_ =	sdelay $0x3  }
0x96: {  	_ =	strace s3  }
0x97: {  	_ =	strace $0x8FFFFFFF  }
0x98: {  	s19 =	sld [smem:$0x3FDB];
	_ =	sdelay $0x1  }
0x99: {  	s4 =	simm.s32 $_scs_section_size  }
0x9a: {  	s5 =	simm.s32 $_size__tile_overlayer_lowered;
	s6 =	simm.s32 $_tile_overlayer_lowered  }
0x9b: {  	s22 =	simm.s32 $0x1BFF;
	s21 =	sshll.u32 s6, $0x1;
	s3 =	sadd.s32 s4, s19  }
0x9c: {  	s7 =	simm.s32 $0x0;
	s20 =	sshll.u32 s5, $0x1;
	s5 =	sadd.s32 s21, s3  }
0x9d: {  	[timem:s7], [sflag:s22] =	dma.local [hbm:s5], s20  }
0x9e: {  	_ =	swait.ge [sflag:s22], s20  }
0x9f: {  	s4 =	ssub.s32 $0x0, s20;
	[sflag:s22] =	ssyncset.done $0x0  }
0xa0: {  	[sflag:s22] =	ssyncadd.s32 s4;
	_ =	sdelay $0x1  }
0xa1: {  	s23 =	simm.s32 $0x1B8B  }
0xa2: {  	_ =	swait.ge [sflag:s23], $0x1  }
0xa3: {  	[sflag:s23] =	ssyncset.done $0x0  }
0xa4: {  	s25 =	simm.s32 $0x1B8E;
	s24 =	sld [smem:$0x3FFE];
	[sflag:s23] =	ssyncadd.s32 $0xFFFFFFFF  }
0xa5: {  	s26 =	simm.s32 $execute0_lowered;
	[smem:$0x3FD2] =	sst s25  }
0xa6: {  	s5 =	sshll.u32 s26, $0x1;
	_ =	strace $0x80000049;
	[dreg:$0x1] =	wrdreg $0xFFFFFFFF  }
0xa7: {  	s28 =	simm.s32 $_size_execute0_lowered;
	s3 =	sadd.s32 s3, s5;
	[dreg:$0x0] =	wrdreg $0x0  }
0xa8: {  	s5 =	sshll.u32 s28, $0x1;
	[dreg:$0x2] =	wrdreg s3  }
0xa9: {  	[dreg:$0x3] =	wrdreg s5  }
0xaa: {  	[dreg:$0x4] =	wrdreg $0xC0  }
0xab: {  	_ =	task [dreg:s7], $0x5FFFF  }
0xac: {  	[dreg:$0x1] =	wrdreg $0xFFFFFFFF  }
0xad: {  	[dreg:$0x0] =	wrdreg $0x60  }
0xae: {  	[dreg:$0x2] =	wrdreg s2  }
0xaf: {  	[dreg:$0x3] =	wrdreg s24  }
0xb0: {  	[dreg:$0x4] =	wrdreg $0xA0000  }
0xb1: {  	[dreg:$0x5] =	wrdreg $0x0  }
0xb2: {  	[dreg:$0x6] =	wrdreg $0x9  }
0xb3: {  	_ =	task.clear_ibuf [dreg:s7], $0x7FFFF;
	_ =	strace $0x90000049  }
0xb4: {  	s29 =	simm.s32 $0x9;
	_ =	strace $0x8000004B  }
0xb5: {  	_ =	swait.ge [sflag:s29], $0x1  }
0xb6: {  	[sflag:s29] =	ssyncadd.s32 $0xFFFFFFFF  }
0xb7: {  	_ =	strace $0x9000004B  }
0xb8: {  	_ =	sfence  }
0xb9: {  	s30 =	sld [smem:$0x0];
	_ =	sdelay $0x2  }
0xba: {  	s31 =	sshll.u32 s1, $0xD;
	s1 =	sshrl.u32 s1, $0x2  }
0xbb: {  	s3 =	sand.u32 $0x4000, s31;
	s1 =	sadd.s32 s1, s30  }
0xbc: {  	s0 =	sor.u32 s3, s0;
	s1 =	sshll.u32 s1, $0x11  }
0xbd: {  	s0 =	sor.u32 s1, s0  }
0xbe: {  	s0 =	sadd.s32 $0x8F2B, s0  }
0xbf: {  	[sflag:s0] =	ssyncadd.remote.s32 $0x1  }
0xc0: {  	_ =	sfence.sel $0xFFFF  }
0xc1: {  	[dreg:$0x0] =	wrdreg $0xFFFFFFFF;
	(pc) =	sbr.abs _section_cstart, $3  }
0xc2: {  	[dreg:$0x1] =	wrdreg $0xFFFFFFFF  }
0xc3: {  	_ =	task.clear_ibuf [dreg:s7], $0x2FFFF;
	_ =	strace $0x9FFFFFFF  }
0xc4: {  	(tm) =	ssettm $0x7FFFFFFF  }
0xc5: {  	_ =	shalt  }
tec
execute0_lowered:
.L_overlay_start_1:
0x0: {  	(tag) =	ssettag $0x1  }
0x1: {  	s0 =	rddreg [dreg:$0x0]  }
0x2: {  	s1 =	rddreg [dreg:$0x1];
	s3 =	srdreg.scid  }
0x3: {  	s2 =	rddreg [dreg:$0x2];
	s13 =	stileid.u32;
	s4 =	simm.s32 $0x0  }
0x4: {  	s20 =	simm.s32 $0x7D;
	s21 =	simm.s32 $0x18C40;
	s22 =	simm.s32 $0x1  }
0x5: {  	s28 =	simm.s32 $0x3;
	s30 =	simm.s32 $0x13D40;
	s10 =	smul.u32 $0x9C40, s13  }
0x6: {  	s5 =	sand.u32 $0x1, s3;
	s3 =	rddreg [dreg:$0x3];
	s25 =	smul.u32 $0x28000, s13  }
0x7: {  	s31 =	simm.s32 $0x4;
	[smem:$0x7FF] =	sst s4;
	s11 =	smul.u32 $0xA000, s13  }
0x8: {  	s6 =	sshll.u32 s5, $0x4;
	_ =	strace $0x8000004A;
	s24 =	smul.u32 $0x14000, s5  }
0x9: {  	s8 =	ssub.s32 $0x2, s5;
	s5 =	sadd.s32 $0xC000, s1;
	s6 =	sor.u32 s13, s6  }
0xa: {  	s9 =	sshrl.u32 s8, $0x1;
	s14 =	sadd.s32 s10, s2;
	s10 =	sshrl.u32 s10, $0x3  }
0xb: {  	s12 =	sshrl.u32 s25, $0x2;
	s26 =	sadd.s32 s11, s3;
	s23 =	sshrl.u32 s11, $0x3  }
0xc: {  	s13 =	sshll.u32 s13, $0x6;
	s11 =	simm.s32 $0x5;
	s25 =	simm.s32 $0x1AB80  }
0xd: {  	s6 =	smul.u32 $0x500, s6;
	s9 =	ssub.s32 s8, s9;
	s8 =	sadd.s32 s0, s10  }
0xe: {  	s29 =	sadd.s32 s12, s3;
	s10 =	simm.s32 $0x13C40;
	s12 =	simm.s32 $0x16440  }
0xf: {  	s13 =	sor.u32 $0x1C05, s13;
	s14 =	sshrl.u32 s14, $0x3;
	s15 =	sshrl.u32 s26, $0x3  }
0x10: {  	s26 =	simm.s32 $0x2;
	s0 =	simm.s32 $0x0;
	s16 =	sadd.s32 $0x2000, s29  }
.Ltmp0:
0x11: {  	s17 =	sadd.s32 $0x4000, s29;
	s18 =	sadd.s32 $0x6000, s29;
	(pc) =	sbr.rel .LBB2_1-.Ltmp0, $4  }
0x12: {  	s19 =	sadd.s32 $0x8000, s29;
	s9 =	smax.u32 s9, $0x1;
	s7 =	sadd.s32 s6, s1  }
0x13: {  	s1 =	sadd.s32 s24, s1;
	s16 =	sshrl.u32 s16, $0x3;
	s17 =	sshrl.u32 s17, $0x3  }
0x14: {  	s18 =	sshrl.u32 s18, $0x3;
	s19 =	sshrl.u32 s19, $0x3;
	s1 =	sadd.s32 $0x47200, s1  }
0x15: {  	s6 =	sadd.s32 $0x16000, s7;
	s7 =	sadd.s32 $0x2000, s7;
	s24 =	sadd.s32 s23, s1  }
.LBB2_4:
0x16: {  	_ =	swait.ge [sflag:s31], $0x1F40  }
0x17: {  	s0 =	sadd.s32 $0x1, s0;
	[sflag:s31] =	ssyncset.done $0x0  }
0x18: {  	p0 =	sne.s32 s0, s9;
	[sflag:s31] =	ssyncadd.s32 $0xFFFFE0C0  }
.Ltmp1:
0x19: {  	[bflag:$0x0] =	sbarrier.arrive $0xFFFF;
	(pc) =	sbr.rel @!p0 .LBB2_5-.Ltmp1, $4  }
0x1a: {  	[hbm:s24], [sflag:s13] =	dma.local [spmem:s15], $0x1400  }
0x1b: {  	_ =	swait.ge [sflag:s11], $0x1400  }
0x1c: {  	[sflag:s11] =	ssyncset.done $0x0  }
0x1d: {  	[sflag:s11] =	ssyncadd.s32 $0xFFFFEC00  }
.LBB2_1:
0x1e: {  	[tilespmem:s10], [sflag:$0x5] =	stream.linear.gather [hbm4b:s6+s4], $0x2800, $0x38;
	[tilespmem:$0x1CAC0] =	vst v63  }
0x1f: {  	_ =	swait.ge [sflag:s11], $0x2800  }
0x20: {  	[sflag:s11] =	ssyncset.done $0x0  }
0x21: {  	[sflag:s11] =	ssyncadd.s32 $0xFFFFD800  }
0x22: {  	[tilespmem:s12], [sflag:$0x5] =	stream.linear.gather [hbm4b:s7+s4], $0x2800, $0x38;
	[tilespmem:$0x1CAC0] =	vst v63  }
0x23: {  	_ =	swait.ge [sflag:s11], $0x2800  }
0x24: {  	[sflag:s11] =	ssyncset.done $0x0  }
0x25: {  	[sflag:s11] =	ssyncadd.s32 $0xFFFFD800  }
0x26: {  	[spmem:s14], [sflag:s13] =	dma.local [hbm:s8], $0x1388  }
0x27: {  	_ =	swait.ge [sflag:s11], $0x1388  }
0x28: {  	[sflag:s11] =	ssyncset.done $0x0  }
0x29: {  	[sflag:s11] =	ssyncadd.s32 $0xFFFFEC78  }
0x2a: {  	[spmem:s15], [sflag:s13] =	dma.local [hbm:s5], $0x400  }
0x2b: {  	_ =	swait.ge [sflag:s11], $0x400  }
0x2c: {  	[sflag:s11] =	ssyncset.done $0x0  }
0x2d: {  	[sflag:s11] =	ssyncadd.s32 $0xFFFFFC00  }
0x2e: {  	[spmem:s16], [sflag:s13] =	dma.local [hbm:s5], $0x400  }
0x2f: {  	_ =	swait.ge [sflag:s11], $0x400  }
0x30: {  	[sflag:s11] =	ssyncset.done $0x0  }
0x31: {  	[sflag:s11] =	ssyncadd.s32 $0xFFFFFC00  }
0x32: {  	[spmem:s17], [sflag:s13] =	dma.local [hbm:s5], $0x400  }
0x33: {  	_ =	swait.ge [sflag:s11], $0x400  }
0x34: {  	[sflag:s11] =	ssyncset.done $0x0  }
0x35: {  	[sflag:s11] =	ssyncadd.s32 $0xFFFFFC00  }
0x36: {  	[spmem:s18], [sflag:s13] =	dma.local [hbm:s5], $0x400  }
0x37: {  	_ =	swait.ge [sflag:s11], $0x400  }
0x38: {  	[sflag:s11] =	ssyncset.done $0x0  }
0x39: {  	[sflag:s11] =	ssyncadd.s32 $0xFFFFFC00  }
0x3a: {  	[spmem:s19], [sflag:s13] =	dma.local [hbm:s5], $0x400  }
0x3b: {  	_ =	swait.ge [sflag:s11], $0x400  }
0x3c: {  	[sflag:s11] =	ssyncset.done $0x0  }
0x3d: {  	[sflag:s11] =	ssyncadd.s32 $0xFFFFFC00  }
0x3e: {  	[bflag:$0x0] =	sbarrier.arrive $0xFFFF  }
0x3f: {  	[tilespmem:s21], [sflag:$0x1] =	stream.indirect.gather [spmem:s2], $0x40, s10, s20, $0xb8;
	[tilespmem:$0x1CAC0] =	vst v63  }
0x40: {  	_ =	swait.ge [sflag:s22], $0x1F40  }
0x41: {  	[sflag:s22] =	ssyncset.done $0x0  }
0x42: {  	[sflag:s22] =	ssyncadd.s32 $0xFFFFE0C0  }
0x43: {  	[spmem:s3] =	stream.indirect.scatter.add.f32 [tilespmem:s21], [sflag:$0x3], $0x40, s12, s20, $0xb8;
	[tilespmem:$0x1CAC0] =	vst v63  }
0x44: {  	s1 =	simm.s32 $0x13CC0  }
0x45: {  	[tilespmem:s25], [sflag:$0x2] =	stream.indirect.gather [spmem:s2], $0x40, s1, s20, $0xb8;
	[tilespmem:$0x1CAC0] =	vst v63  }
0x46: {  	_ =	swait.ge [sflag:s26], $0x1F40  }
0x47: {  	[sflag:s26] =	ssyncset.done $0x0  }
0x48: {  	[sflag:s26] =	ssyncadd.s32 $0xFFFFE0C0  }
0x49: {  	_ =	swait.ge [sflag:s28], $0x1F40  }
0x4a: {  	[sflag:s28] =	ssyncset.done $0x0  }
0x4b: {  	s29 =	simm.s32 $0x164C0;
	[sflag:s28] =	ssyncadd.s32 $0xFFFFE0C0  }
0x4c: {  	[spmem:s3] =	stream.indirect.scatter.add.f32 [tilespmem:s25], [sflag:$0x4], $0x40, s29, s20, $0xb8;
	[tilespmem:$0x1CAC0] =	vst v63  }
0x4d: {  	s1 =	simm.s32 $0xFFFF6800  }
0x4e: {  	[tilespmem:s21], [sflag:$0x1] =	stream.indirect.gather [spmem:s2], $0x40, s30, s20, $0xb8;
	[tilespmem:$0x1CAC0] =	vst v63  }
.LBB2_2:
0x4f: {  	_ =	swait.ge [sflag:s22], $0x1F40  }
0x50: {  	[sflag:s22] =	ssyncset.done $0x0  }
0x51: {  	[sflag:s22] =	ssyncadd.s32 $0xFFFFE0C0  }
0x52: {  	_ =	swait.ge [sflag:s31], $0x1F40  }
0x53: {  	s23 =	sshra.s32 s1, $0x2;
	[sflag:s31] =	ssyncset.done $0x0  }
0x54: {  	s29 =	sadd.s32 $0x18B40, s23;
	[sflag:s31] =	ssyncadd.s32 $0xFFFFE0C0  }
0x55: {  	[spmem:s3] =	stream.indirect.scatter.add.f32 [tilespmem:s21], [sflag:$0x3], $0x40, s29, s20, $0xb8;
	[tilespmem:$0x1CAC0] =	vst v63  }
0x56: {  	s29 =	sadd.s32 $0x163C0, s23  }
0x57: {  	[tilespmem:s25], [sflag:$0x2] =	stream.indirect.gather [spmem:s2], $0x40, s29, s20, $0xb8;
	[tilespmem:$0x1CAC0] =	vst v63  }
0x58: {  	_ =	swait.ge [sflag:s26], $0x1F40  }
0x59: {  	p0 =	seq.s32 s1, $0x0;
	[sflag:s26] =	ssyncset.done $0x0  }
.Ltmp2:
0x5a: {  	[sflag:s26] =	ssyncadd.s32 $0xFFFFE0C0;
	(pc) =	sbr.rel @p0 .LBB2_4-.Ltmp2, $4  }
0x5b: {  	_ =	swait.ge [sflag:s28], $0x1F40  }
0x5c: {  	[sflag:s28] =	ssyncset.done $0x0  }
0x5d: {  	s29 =	sadd.s32 $0x18BC0, s23;
	[sflag:s28] =	ssyncadd.s32 $0xFFFFE0C0  }
0x5e: {  	[spmem:s3] =	stream.indirect.scatter.add.f32 [tilespmem:s25], [sflag:$0x4], $0x40, s29, s20, $0xb8;
	[tilespmem:$0x1CAC0] =	vst v63  }
.Ltmp3:
0x5f: {  	(pc) =	sbr.rel .LBB2_2-.Ltmp3, $3  }
0x60: {  	_ =	sdelay $0x1  }
0x61: {  	s23 =	sadd.s32 $0x16440, s23;
	s1 =	sadd.s32 $0x400, s1  }
0x62: {  	[tilespmem:s21], [sflag:$0x1] =	stream.indirect.gather [spmem:s2], $0x40, s23, s20, $0xb8;
	[tilespmem:$0x1CAC0] =	vst v63  }
.LBB2_5:
0x63: {  	_ =	sfence.sel $0x180000  }
0x64: {  	[bflag:$0x0] =	sbarrier.arrive $0xFFFF  }
0x65: {  	_ =	strace $0x9000004A  }
0x66: {  	s0 =	stileid.u32;
	[bflag:$0x2] =	sbarrier.arrive $0xFFFF  }
0x67: {  	p0 =	sne.s32 s0, $0x0;
	s0 =	rddreg [dreg:$0x4]  }
0x68: {  	s0 =	sadd.s32 @!p0 $0x100000, s0  }
0x69: {  	[sflag:s0] =	ssyncadd.tile.s32 @!p0 $0x1;
	_ =	shalt  }
.Lfunc_end2:
_tile_overlayer_lowered:
.L_overlay_start_2:
0x6a: {  	(tag) =	ssettag $0x2  }
0x6b: {  	s0 =	rddreg [dreg:$0x0];
	s2 =	stileid.u32  }
0x6c: {  	s1 =	rddreg [dreg:$0x1];
	p0 =	sne.s32 s2, $0x0  }
0x6d: {  	s3 =	rddreg [dreg:$0x2];
	[bflag:$0x3] =	sbarrier.arrive $0xFFFF;
	s2 =	simm.s32 @!p0 $0x1C05  }
0x6e: {  	[timem:s3], [sflag:s2] =	dma.local @!p0 [hbm:s0], s1  }
0x6f: {  	s0 =	simm.s32 @!p0 $0x5  }
0x70: {  	_ =	swait.ge @!p0 [sflag:s0], s1  }
0x71: {  	s1 =	ssub.s32 @!p0 $0x0, s1;
	[sflag:s0] =	ssyncset.done @!p0 $0x0  }
0x72: {  	[sflag:s0] =	ssyncadd.s32 @!p0 s1  }
0x73: {  	[bflag:$0x3] =	sbarrier.arrive $0xFFFF  }
0x74: {  	_ =	shalt  }

// kernel: kernel.15.cloned.1.call-start
scs
__scs_entry_jumppad:
0x0: {  	(pc) =	sbr.rel $0x88, $3  }
0x1: {  	(tag) =	ssettag $0x0;
	lr =	simm.s32 $0x1  }
0x2: {  	[smem:$0x3F98] =	sst lr;
	_ =	strace $0xD0000000  }
0x3: {  	_ = 	snop  }
0x4: {  	_ = 	snop  }
0x5: {  	_ = 	snop  }
0x6: {  	_ = 	snop  }
0x7: {  	_ = 	snop  }
__scs_overlays_trampoline_lowered:
0x8: {  	[smem:$0x3FA7] =	sst s0  }
0x9: {  	[smem:$0x3FA8] =	sst s1  }
0xa: {  	[smem:$0x3FA9] =	sst s2  }
0xb: {  	[smem:$0x3FAA] =	sst s3  }
0xc: {  	[smem:$0x3FAB] =	sst s4  }
0xd: {  	[smem:$0x3FAC] =	sst s5  }
0xe: {  	[smem:$0x3FAD] =	sst s6  }
0xf: {  	[smem:$0x3FAE] =	sst s7  }
0x10: {  	[smem:$0x3FAF] =	sst s8  }
0x11: {  	[smem:$0x3FB0] =	sst s9;
	s0 =	simm.s32 @!p0 $0x0  }
0x12: {  	s1 =	sld [smem:$0x3F96];
	s0 =	simm.s32 @p0 $0x1  }
0x13: {  	[smem:$0x3FB1] =	sst s0;
	s0 =	simm.s32 @!p1 $0x0  }
0x14: {  	s2 =	sld [smem:$0x3F95];
	s0 =	simm.s32 @p1 $0x1  }
0x15: {  	[smem:$0x3FB2] =	sst s0;
	s0 =	simm.s32 @!p2 $0x0  }
0x16: {  	s3 =	sld [smem:$0x3FDB];
	s0 =	simm.s32 @p2 $0x1  }
0x17: {  	s4 =	simm.s32 $0x1BF5;
	[smem:$0x3FB4] =	sst s0  }
0x18: {  	s0 =	sld [smem:$0x3F97];
	_ =	swait.ge [sflag:s4], $0x0  }
0x19: {  	s7 =	sld [smem:$0x3F98]  }
0x1a: {  	s8 =	sadd.s32 $0xFFFFE003, lr  }
0x1b: {  	s9 =	sadd.s32 $0xFFFFFEF7, lr;
	s5 =	simm.s32 $0xFFFFFFFF;
	p2 =	slt.u32 s8, $0xFFFFF086  }
0x1c: {  	p1 =	slt.u32 s9, $0xF7A;
	s5 =	simm.s32 @!p2 $0x0  }
0x1d: {  	s5 =	simm.s32 @p1 $0x1;
	p0 =	seq.s32 s7, s2  }
0x1e: {  	s7 =	smul.u32 @!p0 $0xF7A, s2;
	p2 =	seq.s32 @!p0 s5, $0x0  }
0x1f: {  	s9 =	smul.u32 $0xF7A, s1;
	s8 =	simm.s32 @!p0 $0x1BF5;
	p2 =	por !p2, p0  }
0x20: {  	[sflag:s8] =	ssyncset.s32 @!p0 $0xFFFFF086;
	s6 =	sadd.s32 @!p0 s3, s7;
	s7 =	simm.s32 @!p0 $0x108  }
0x21: {  	s3 =	sadd.s32 s3, s9;
	s6 =	sadd.s32 @!p0 $0x88, s6;
	s7 =	simm.s32 @p2 $0x1082  }
0x22: {  	[simem:s7], [sflag:s8] =	dma.local @!p0 [hbm:s6], $0xF7A  }
0x23: {  	s9 =	sor.u32 $0xD0000000, s2;
	s6 =	simm.s32 $0x108;
	_ =	swait.ge @!p0 [sflag:s8], $0x0  }
0x24: {  	s3 =	sadd.s32 $0x88, s3;
	s6 =	simm.s32 @!p1 $0x1082;
	[sflag:s4] =	ssyncset.s32 $0xFFFFF086  }
0x25: {  	[simem:s6], [sflag:s4] =	dma.local [hbm:s3], $0xF7A  }
0x26: {  	[smem:$0x3F98] =	sst s1;
	(tag) =	ssettag s2;
	_ =	strace s9  }
0x27: {  	s1 =	sld [smem:$0x3FA8]  }
0x28: {  	s2 =	sld [smem:$0x3FA9]  }
0x29: {  	s4 =	sld [smem:$0x3FAB]  }
0x2a: {  	p0 =	seq.s32 s5, $0x0;
	s5 =	sld [smem:$0x3FAC]  }
0x2b: {  	s6 =	sld [smem:$0x3FAD]  }
0x2c: {  	s7 =	sld [smem:$0x3FAE]  }
0x2d: {  	s3 =	simm.s32 $0x108;
	s8 =	sld [smem:$0x3FAF]  }
0x2e: {  	s3 =	simm.s32 @!p0 $0x1082;
	s9 =	sld [smem:$0x3FB0]  }
0x2f: {  	lr =	sadd.s32 s0, s3;
	s0 =	sld [smem:$0x3FA7]  }
0x30: {  	s3 =	sld [smem:$0x3FAA]  }
0x31: {  	[smem:$0x3FB3] =	sst s10  }
0x32: {  	s10 =	sld [smem:$0x3FB1];
	_ =	sdelay $0x3  }
0x33: {  	p0 =	seq.s32 s10, $0x1;
	s10 =	sld [smem:$0x3FB3];
	_ =	sdelay $0x3  }
0x34: {  	[smem:$0x3FB3] =	sst s10  }
0x35: {  	s10 =	sld [smem:$0x3FB2];
	_ =	sdelay $0x3  }
0x36: {  	p1 =	seq.s32 s10, $0x1;
	s10 =	sld [smem:$0x3FB3];
	_ =	sdelay $0x3  }
0x37: {  	[smem:$0x3FB3] =	sst s10  }
0x38: {  	s10 =	sld [smem:$0x3FB4]  }
0x39: {  	_ = 	snop;
	(pc) =	sbr.ind lr, $3  }
0x3a: {  	_ = 	snop  }
0x3b: {  	_ = 	snop  }
0x3c: {  	p2 =	seq.s32 s10, $0x1;
	s10 =	sld [smem:$0x3FB3]  }
0x3d: {  	_ =	shalt  }
0x3e: {  	_ =	shalt  }
0x3f: {  	_ =	shalt  }
0x40: {  	_ =	shalt  }
0x41: {  	_ =	shalt  }
0x42: {  	_ =	shalt  }
0x43: {  	_ =	shalt  }
0x44: {  	_ =	shalt  }
0x45: {  	_ =	shalt  }
0x46: {  	_ =	shalt  }
0x47: {  	_ =	shalt  }
0x48: {  	_ =	shalt  }
0x49: {  	_ =	shalt  }
0x4a: {  	_ =	shalt  }
0x4b: {  	_ =	shalt  }
0x4c: {  	_ =	shalt  }
0x4d: {  	_ =	shalt  }
0x4e: {  	_ =	shalt  }
0x4f: {  	_ =	shalt  }
0x50: {  	_ =	shalt  }
0x51: {  	_ =	shalt  }
0x52: {  	_ =	shalt  }
0x53: {  	_ =	shalt  }
0x54: {  	_ =	shalt  }
0x55: {  	_ =	shalt  }
0x56: {  	_ =	shalt  }
0x57: {  	_ =	shalt  }
0x58: {  	_ =	shalt  }
0x59: {  	_ =	shalt  }
0x5a: {  	_ =	shalt  }
0x5b: {  	_ =	shalt  }
0x5c: {  	_ =	shalt  }
0x5d: {  	_ =	shalt  }
0x5e: {  	_ =	shalt  }
0x5f: {  	_ =	shalt  }
0x60: {  	_ =	shalt  }
0x61: {  	_ =	shalt  }
0x62: {  	_ =	shalt  }
0x63: {  	_ =	shalt  }
0x64: {  	_ =	shalt  }
0x65: {  	_ =	shalt  }
0x66: {  	_ =	shalt  }
0x67: {  	_ =	shalt  }
0x68: {  	_ =	shalt  }
0x69: {  	_ =	shalt  }
0x6a: {  	_ =	shalt  }
0x6b: {  	_ =	shalt  }
0x6c: {  	_ =	shalt  }
0x6d: {  	_ =	shalt  }
0x6e: {  	_ =	shalt  }
0x6f: {  	_ =	shalt  }
0x70: {  	_ =	shalt  }
0x71: {  	_ =	shalt  }
0x72: {  	_ =	shalt  }
0x73: {  	_ =	shalt  }
0x74: {  	_ =	shalt  }
0x75: {  	_ =	shalt  }
0x76: {  	_ =	shalt  }
0x77: {  	_ =	shalt  }
0x78: {  	_ =	shalt  }
0x79: {  	_ =	shalt  }
0x7a: {  	_ =	shalt  }
0x7b: {  	_ =	shalt  }
0x7c: {  	_ =	shalt  }
0x7d: {  	_ =	shalt  }
0x7e: {  	_ =	shalt  }
0x7f: {  	_ =	shalt  }
0x80: {  	_ =	shalt  }
0x81: {  	_ =	shalt  }
0x82: {  	_ =	shalt  }
0x83: {  	_ =	shalt  }
0x84: {  	_ =	shalt  }
0x85: {  	_ =	shalt  }
0x86: {  	_ =	shalt  }
0x87: {  	_ =	shalt  }
.Lfunc_end0:
.L_simem_size_0:
called_computation.2_lowered:
.L_overlay_start_0:
0x88: {  	s2 =	sld [smem:$0x3FD9]  }
0x89: {  	s3 =	sld [smem:$0x3FFE];
	_ =	sdelay $0x1  }
0x8a: {  	s1 =	srdreg.scid  }
0x8b: {  	s0 =	sand.u32 $0x1, s1  }
0x8c: {  	s17 =	sshll.u32 s0, $0xA;
	s2 =	sadd.s32 s3, s2  }
0x8d: {  	s2 =	sadd.s32 s2, s17  }
0x8e: {  	[smem:$0x3FBF] =	sst s2  }
0x8f: {  	_ = 	snop  }
0x90: {  	s2 =	sld [smem:$0x3FD0];
	(tm) =	ssettm $0x1  }
0x91: {  	s18 =	sld [smem:$0x3FFB];
	_ =	sdelay $0x3  }
0x92: {  	_ =	strace s18  }
0x93: {  	s3 =	sld [smem:$0x3FFC];
	_ =	sdelay $0x3  }
0x94: {  	_ =	strace s3  }
0x95: {  	s3 =	sld [smem:$0x3FFD];
	_ =	sdelay $0x3  }
0x96: {  	_ =	strace s3  }
0x97: {  	_ =	strace $0x8FFFFFFF  }
0x98: {  	s19 =	sld [smem:$0x3FDB];
	_ =	sdelay $0x1  }
0x99: {  	s4 =	simm.s32 $_scs_section_size  }
0x9a: {  	s5 =	simm.s32 $_size__tile_overlayer_lowered;
	s6 =	simm.s32 $_tile_overlayer_lowered  }
0x9b: {  	s22 =	simm.s32 $0x1BFF;
	s21 =	sshll.u32 s6, $0x1;
	s3 =	sadd.s32 s4, s19  }
0x9c: {  	s7 =	simm.s32 $0x0;
	s20 =	sshll.u32 s5, $0x1;
	s5 =	sadd.s32 s21, s3  }
0x9d: {  	[timem:s7], [sflag:s22] =	dma.local [hbm:s5], s20  }
0x9e: {  	_ =	swait.ge [sflag:s22], s20  }
0x9f: {  	s4 =	ssub.s32 $0x0, s20;
	[sflag:s22] =	ssyncset.done $0x0  }
0xa0: {  	[sflag:s22] =	ssyncadd.s32 s4;
	_ =	sdelay $0x1  }
0xa1: {  	s23 =	simm.s32 $0x1B8B  }
0xa2: {  	_ =	swait.ge [sflag:s23], $0x1  }
0xa3: {  	[sflag:s23] =	ssyncset.done $0x0  }
0xa4: {  	s25 =	simm.s32 $0x1B8E;
	s24 =	sld [smem:$0x3FFE];
	[sflag:s23] =	ssyncadd.s32 $0xFFFFFFFF  }
0xa5: {  	s26 =	simm.s32 $execute0_lowered;
	[smem:$0x3FD2] =	sst s25  }
0xa6: {  	s5 =	sshll.u32 s26, $0x1;
	_ =	strace $0x8000004C;
	[dreg:$0x1] =	wrdreg $0xFFFFFFFF  }
0xa7: {  	s28 =	simm.s32 $_size_execute0_lowered;
	s3 =	sadd.s32 s3, s5;
	[dreg:$0x0] =	wrdreg $0x0  }
0xa8: {  	s5 =	sshll.u32 s28, $0x1;
	[dreg:$0x2] =	wrdreg s3  }
0xa9: {  	[dreg:$0x3] =	wrdreg s5  }
0xaa: {  	[dreg:$0x4] =	wrdreg $0xC0  }
0xab: {  	_ =	task [dreg:s7], $0x5FFFF  }
0xac: {  	[dreg:$0x1] =	wrdreg $0xFFFFFFFF  }
0xad: {  	[dreg:$0x0] =	wrdreg $0x60  }
0xae: {  	[dreg:$0x2] =	wrdreg s2  }
0xaf: {  	[dreg:$0x3] =	wrdreg s24  }
0xb0: {  	[dreg:$0x4] =	wrdreg $0xA0000  }
0xb1: {  	[dreg:$0x5] =	wrdreg $0x0  }
0xb2: {  	[dreg:$0x6] =	wrdreg $0x9  }
0xb3: {  	_ =	task.clear_ibuf [dreg:s7], $0x7FFFF;
	_ =	strace $0x9000004C  }
0xb4: {  	s29 =	simm.s32 $0x9;
	_ =	strace $0x8000004E  }
0xb5: {  	_ =	swait.ge [sflag:s29], $0x1  }
0xb6: {  	[sflag:s29] =	ssyncadd.s32 $0xFFFFFFFF  }
0xb7: {  	_ =	strace $0x9000004E  }
0xb8: {  	_ =	sfence  }
0xb9: {  	s30 =	sld [smem:$0x0];
	_ =	sdelay $0x2  }
0xba: {  	s31 =	sshll.u32 s1, $0xD;
	s1 =	sshrl.u32 s1, $0x2  }
0xbb: {  	s3 =	sand.u32 $0x4000, s31;
	s1 =	sadd.s32 s1, s30  }
0xbc: {  	s0 =	sor.u32 s3, s0;
	s1 =	sshll.u32 s1, $0x11  }
0xbd: {  	s0 =	sor.u32 s1, s0  }
0xbe: {  	s0 =	sadd.s32 $0x8F2B, s0  }
0xbf: {  	[sflag:s0] =	ssyncadd.remote.s32 $0x1  }
0xc0: {  	_ =	sfence.sel $0xFFFF  }
0xc1: {  	[dreg:$0x0] =	wrdreg $0xFFFFFFFF;
	(pc) =	sbr.abs _section_cstart, $3  }
0xc2: {  	[dreg:$0x1] =	wrdreg $0xFFFFFFFF  }
0xc3: {  	_ =	task.clear_ibuf [dreg:s7], $0x2FFFF;
	_ =	strace $0x9FFFFFFF  }
0xc4: {  	(tm) =	ssettm $0x7FFFFFFF  }
0xc5: {  	_ =	shalt  }
tec
execute0_lowered:
.L_overlay_start_1:
0x0: {  	(tag) =	ssettag $0x1  }
0x1: {  	s0 =	rddreg [dreg:$0x0]  }
0x2: {  	s1 =	rddreg [dreg:$0x1];
	s3 =	srdreg.scid  }
0x3: {  	s2 =	rddreg [dreg:$0x2];
	s13 =	stileid.u32;
	s4 =	simm.s32 $0x0  }
0x4: {  	s20 =	simm.s32 $0x7D;
	s21 =	simm.s32 $0x18C40;
	s22 =	simm.s32 $0x1  }
0x5: {  	s28 =	simm.s32 $0x3;
	s30 =	simm.s32 $0x13D40;
	s10 =	smul.u32 $0x9C40, s13  }
0x6: {  	s5 =	sand.u32 $0x1, s3;
	s3 =	rddreg [dreg:$0x3];
	s25 =	smul.u32 $0x28000, s13  }
0x7: {  	s31 =	simm.s32 $0x4;
	[smem:$0x7FF] =	sst s4;
	s11 =	smul.u32 $0xA000, s13  }
0x8: {  	s6 =	sshll.u32 s5, $0x4;
	_ =	strace $0x8000004D;
	s24 =	smul.u32 $0x14000, s5  }
0x9: {  	s8 =	ssub.s32 $0x2, s5;
	s5 =	sadd.s32 $0xC000, s1;
	s6 =	sor.u32 s13, s6  }
0xa: {  	s9 =	sshrl.u32 s8, $0x1;
	s14 =	sadd.s32 s10, s2;
	s10 =	sshrl.u32 s10, $0x3  }
0xb: {  	s12 =	sshrl.u32 s25, $0x2;
	s26 =	sadd.s32 s11, s3;
	s23 =	sshrl.u32 s11, $0x3  }
0xc: {  	s13 =	sshll.u32 s13, $0x6;
	s11 =	simm.s32 $0x5;
	s25 =	simm.s32 $0x1AB80  }
0xd: {  	s6 =	smul.u32 $0x500, s6;
	s9 =	ssub.s32 s8, s9;
	s8 =	sadd.s32 s0, s10  }
0xe: {  	s29 =	sadd.s32 s12, s3;
	s10 =	simm.s32 $0x13C40;
	s12 =	simm.s32 $0x16440  }
0xf: {  	s13 =	sor.u32 $0x1C05, s13;
	s14 =	sshrl.u32 s14, $0x3;
	s15 =	sshrl.u32 s26, $0x3  }
0x10: {  	s26 =	simm.s32 $0x2;
	s0 =	simm.s32 $0x0;
	s16 =	sadd.s32 $0x2000, s29  }
.Ltmp0:
0x11: {  	s17 =	sadd.s32 $0x4000, s29;
	s18 =	sadd.s32 $0x6000, s29;
	(pc) =	sbr.rel .LBB2_1-.Ltmp0, $4  }
0x12: {  	s19 =	sadd.s32 $0x8000, s29;
	s9 =	smax.u32 s9, $0x1;
	s7 =	sadd.s32 s6, s1  }
0x13: {  	s1 =	sadd.s32 s24, s1;
	s16 =	sshrl.u32 s16, $0x3;
	s17 =	sshrl.u32 s17, $0x3  }
0x14: {  	s18 =	sshrl.u32 s18, $0x3;
	s19 =	sshrl.u32 s19, $0x3;
	s1 =	sadd.s32 $0x47200, s1  }
0x15: {  	s6 =	sadd.s32 $0x16000, s7;
	s7 =	sadd.s32 $0x2000, s7;
	s24 =	sadd.s32 s23, s1  }
.LBB2_4:
0x16: {  	_ =	swait.ge [sflag:s31], $0x1F40  }
0x17: {  	s0 =	sadd.s32 $0x1, s0;
	[sflag:s31] =	ssyncset.done $0x0  }
0x18: {  	p0 =	sne.s32 s0, s9;
	[sflag:s31] =	ssyncadd.s32 $0xFFFFE0C0  }
.Ltmp1:
0x19: {  	[bflag:$0x0] =	sbarrier.arrive $0xFFFF;
	(pc) =	sbr.rel @!p0 .LBB2_5-.Ltmp1, $4  }
0x1a: {  	[hbm:s24], [sflag:s13] =	dma.local [spmem:s15], $0x1400  }
0x1b: {  	_ =	swait.ge [sflag:s11], $0x1400  }
0x1c: {  	[sflag:s11] =	ssyncset.done $0x0  }
0x1d: {  	[sflag:s11] =	ssyncadd.s32 $0xFFFFEC00  }
.LBB2_1:
0x1e: {  	[tilespmem:s10], [sflag:$0x5] =	stream.linear.gather [hbm4b:s6+s4], $0x2800, $0x38;
	[tilespmem:$0x1CAC0] =	vst v63  }
0x1f: {  	_ =	swait.ge [sflag:s11], $0x2800  }
0x20: {  	[sflag:s11] =	ssyncset.done $0x0  }
0x21: {  	[sflag:s11] =	ssyncadd.s32 $0xFFFFD800  }
0x22: {  	[tilespmem:s12], [sflag:$0x5] =	stream.linear.gather [hbm4b:s7+s4], $0x2800, $0x38;
	[tilespmem:$0x1CAC0] =	vst v63  }
0x23: {  	_ =	swait.ge [sflag:s11], $0x2800  }
0x24: {  	[sflag:s11] =	ssyncset.done $0x0  }
0x25: {  	[sflag:s11] =	ssyncadd.s32 $0xFFFFD800  }
0x26: {  	[spmem:s14], [sflag:s13] =	dma.local [hbm:s8], $0x1388  }
0x27: {  	_ =	swait.ge [sflag:s11], $0x1388  }
0x28: {  	[sflag:s11] =	ssyncset.done $0x0  }
0x29: {  	[sflag:s11] =	ssyncadd.s32 $0xFFFFEC78  }
0x2a: {  	[spmem:s15], [sflag:s13] =	dma.local [hbm:s5], $0x400  }
0x2b: {  	_ =	swait.ge [sflag:s11], $0x400  }
0x2c: {  	[sflag:s11] =	ssyncset.done $0x0  }
0x2d: {  	[sflag:s11] =	ssyncadd.s32 $0xFFFFFC00  }
0x2e: {  	[spmem:s16], [sflag:s13] =	dma.local [hbm:s5], $0x400  }
0x2f: {  	_ =	swait.ge [sflag:s11], $0x400  }
0x30: {  	[sflag:s11] =	ssyncset.done $0x0  }
0x31: {  	[sflag:s11] =	ssyncadd.s32 $0xFFFFFC00  }
0x32: {  	[spmem:s17], [sflag:s13] =	dma.local [hbm:s5], $0x400  }
0x33: {  	_ =	swait.ge [sflag:s11], $0x400  }
0x34: {  	[sflag:s11] =	ssyncset.done $0x0  }
0x35: {  	[sflag:s11] =	ssyncadd.s32 $0xFFFFFC00  }
0x36: {  	[spmem:s18], [sflag:s13] =	dma.local [hbm:s5], $0x400  }
0x37: {  	_ =	swait.ge [sflag:s11], $0x400  }
0x38: {  	[sflag:s11] =	ssyncset.done $0x0  }
0x39: {  	[sflag:s11] =	ssyncadd.s32 $0xFFFFFC00  }
0x3a: {  	[spmem:s19], [sflag:s13] =	dma.local [hbm:s5], $0x400  }
0x3b: {  	_ =	swait.ge [sflag:s11], $0x400  }
0x3c: {  	[sflag:s11] =	ssyncset.done $0x0  }
0x3d: {  	[sflag:s11] =	ssyncadd.s32 $0xFFFFFC00  }
0x3e: {  	[bflag:$0x0] =	sbarrier.arrive $0xFFFF  }
0x3f: {  	[tilespmem:s21], [sflag:$0x1] =	stream.indirect.gather [spmem:s2], $0x40, s10, s20, $0xb8;
	[tilespmem:$0x1CAC0] =	vst v63  }
0x40: {  	_ =	swait.ge [sflag:s22], $0x1F40  }
0x41: {  	[sflag:s22] =	ssyncset.done $0x0  }
0x42: {  	[sflag:s22] =	ssyncadd.s32 $0xFFFFE0C0  }
0x43: {  	[spmem:s3] =	stream.indirect.scatter.add.f32 [tilespmem:s21], [sflag:$0x3], $0x40, s12, s20, $0xb8;
	[tilespmem:$0x1CAC0] =	vst v63  }
0x44: {  	s1 =	simm.s32 $0x13CC0  }
0x45: {  	[tilespmem:s25], [sflag:$0x2] =	stream.indirect.gather [spmem:s2], $0x40, s1, s20, $0xb8;
	[tilespmem:$0x1CAC0] =	vst v63  }
0x46: {  	_ =	swait.ge [sflag:s26], $0x1F40  }
0x47: {  	[sflag:s26] =	ssyncset.done $0x0  }
0x48: {  	[sflag:s26] =	ssyncadd.s32 $0xFFFFE0C0  }
0x49: {  	_ =	swait.ge [sflag:s28], $0x1F40  }
0x4a: {  	[sflag:s28] =	ssyncset.done $0x0  }
0x4b: {  	s29 =	simm.s32 $0x164C0;
	[sflag:s28] =	ssyncadd.s32 $0xFFFFE0C0  }
0x4c: {  	[spmem:s3] =	stream.indirect.scatter.add.f32 [tilespmem:s25], [sflag:$0x4], $0x40, s29, s20, $0xb8;
	[tilespmem:$0x1CAC0] =	vst v63  }
0x4d: {  	s1 =	simm.s32 $0xFFFF6800  }
0x4e: {  	[tilespmem:s21], [sflag:$0x1] =	stream.indirect.gather [spmem:s2], $0x40, s30, s20, $0xb8;
	[tilespmem:$0x1CAC0] =	vst v63  }
.LBB2_2:
0x4f: {  	_ =	swait.ge [sflag:s22], $0x1F40  }
0x50: {  	[sflag:s22] =	ssyncset.done $0x0  }
0x51: {  	[sflag:s22] =	ssyncadd.s32 $0xFFFFE0C0  }
0x52: {  	_ =	swait.ge [sflag:s31], $0x1F40  }
0x53: {  	s23 =	sshra.s32 s1, $0x2;
	[sflag:s31] =	ssyncset.done $0x0  }
0x54: {  	s29 =	sadd.s32 $0x18B40, s23;
	[sflag:s31] =	ssyncadd.s32 $0xFFFFE0C0  }
0x55: {  	[spmem:s3] =	stream.indirect.scatter.add.f32 [tilespmem:s21], [sflag:$0x3], $0x40, s29, s20, $0xb8;
	[tilespmem:$0x1CAC0] =	vst v63  }
0x56: {  	s29 =	sadd.s32 $0x163C0, s23  }
0x57: {  	[tilespmem:s25], [sflag:$0x2] =	stream.indirect.gather [spmem:s2], $0x40, s29, s20, $0xb8;
	[tilespmem:$0x1CAC0] =	vst v63  }
0x58: {  	_ =	swait.ge [sflag:s26], $0x1F40  }
0x59: {  	p0 =	seq.s32 s1, $0x0;
	[sflag:s26] =	ssyncset.done $0x0  }
.Ltmp2:
0x5a: {  	[sflag:s26] =	ssyncadd.s32 $0xFFFFE0C0;
	(pc) =	sbr.rel @p0 .LBB2_4-.Ltmp2, $4  }
0x5b: {  	_ =	swait.ge [sflag:s28], $0x1F40  }
0x5c: {  	[sflag:s28] =	ssyncset.done $0x0  }
0x5d: {  	s29 =	sadd.s32 $0x18BC0, s23;
	[sflag:s28] =	ssyncadd.s32 $0xFFFFE0C0  }
0x5e: {  	[spmem:s3] =	stream.indirect.scatter.add.f32 [tilespmem:s25], [sflag:$0x4], $0x40, s29, s20, $0xb8;
	[tilespmem:$0x1CAC0] =	vst v63  }
.Ltmp3:
0x5f: {  	(pc) =	sbr.rel .LBB2_2-.Ltmp3, $3  }
0x60: {  	_ =	sdelay $0x1  }
0x61: {  	s23 =	sadd.s32 $0x16440, s23;
	s1 =	sadd.s32 $0x400, s1  }
0x62: {  	[tilespmem:s21], [sflag:$0x1] =	stream.indirect.gather [spmem:s2], $0x40, s23, s20, $0xb8;
	[tilespmem:$0x1CAC0] =	vst v63  }
.LBB2_5:
0x63: {  	_ =	sfence.sel $0x180000  }
0x64: {  	[bflag:$0x0] =	sbarrier.arrive $0xFFFF  }
0x65: {  	_ =	strace $0x9000004D  }
0x66: {  	s0 =	stileid.u32;
	[bflag:$0x2] =	sbarrier.arrive $0xFFFF  }
0x67: {  	p0 =	sne.s32 s0, $0x0;
	s0 =	rddreg [dreg:$0x4]  }
0x68: {  	s0 =	sadd.s32 @!p0 $0x100000, s0  }
0x69: {  	[sflag:s0] =	ssyncadd.tile.s32 @!p0 $0x1;
	_ =	shalt  }
.Lfunc_end2:
_tile_overlayer_lowered:
.L_overlay_start_2:
0x6a: {  	(tag) =	ssettag $0x2  }
0x6b: {  	s0 =	rddreg [dreg:$0x0];
	s2 =	stileid.u32  }
0x6c: {  	s1 =	rddreg [dreg:$0x1];
	p0 =	sne.s32 s2, $0x0  }
0x6d: {  	s3 =	rddreg [dreg:$0x2];
	[bflag:$0x3] =	sbarrier.arrive $0xFFFF;
	s2 =	simm.s32 @!p0 $0x1C05  }
0x6e: {  	[timem:s3], [sflag:s2] =	dma.local @!p0 [hbm:s0], s1  }
0x6f: {  	s0 =	simm.s32 @!p0 $0x5  }
0x70: {  	_ =	swait.ge @!p0 [sflag:s0], s1  }
0x71: {  	s1 =	ssub.s32 @!p0 $0x0, s1;
	[sflag:s0] =	ssyncset.done @!p0 $0x0  }
0x72: {  	[sflag:s0] =	ssyncadd.s32 @!p0 s1  }
0x73: {  	[bflag:$0x3] =	sbarrier.arrive $0xFFFF  }
0x74: {  	_ =	shalt  }

// kernel: kernel.9.cloned.1.call-start
scs
__scs_entry_jumppad:
0x0: {  	(pc) =	sbr.rel $0x88, $3  }
0x1: {  	(tag) =	ssettag $0x0;
	lr =	simm.s32 $0x1  }
0x2: {  	[smem:$0x3F98] =	sst lr;
	_ =	strace $0xD0000000  }
0x3: {  	_ = 	snop  }
0x4: {  	_ = 	snop  }
0x5: {  	_ = 	snop  }
0x6: {  	_ = 	snop  }
0x7: {  	_ = 	snop  }
__scs_overlays_trampoline_lowered:
0x8: {  	[smem:$0x3FA7] =	sst s0  }
0x9: {  	[smem:$0x3FA8] =	sst s1  }
0xa: {  	[smem:$0x3FA9] =	sst s2  }
0xb: {  	[smem:$0x3FAA] =	sst s3  }
0xc: {  	[smem:$0x3FAB] =	sst s4  }
0xd: {  	[smem:$0x3FAC] =	sst s5  }
0xe: {  	[smem:$0x3FAD] =	sst s6  }
0xf: {  	[smem:$0x3FAE] =	sst s7  }
0x10: {  	[smem:$0x3FAF] =	sst s8  }
0x11: {  	[smem:$0x3FB0] =	sst s9;
	s0 =	simm.s32 @!p0 $0x0  }
0x12: {  	s1 =	sld [smem:$0x3F96];
	s0 =	simm.s32 @p0 $0x1  }
0x13: {  	[smem:$0x3FB1] =	sst s0;
	s0 =	simm.s32 @!p1 $0x0  }
0x14: {  	s2 =	sld [smem:$0x3F95];
	s0 =	simm.s32 @p1 $0x1  }
0x15: {  	[smem:$0x3FB2] =	sst s0;
	s0 =	simm.s32 @!p2 $0x0  }
0x16: {  	s3 =	sld [smem:$0x3FDB];
	s0 =	simm.s32 @p2 $0x1  }
0x17: {  	s4 =	simm.s32 $0x1BF5;
	[smem:$0x3FB4] =	sst s0  }
0x18: {  	s0 =	sld [smem:$0x3F97];
	_ =	swait.ge [sflag:s4], $0x0  }
0x19: {  	s7 =	sld [smem:$0x3F98]  }
0x1a: {  	s8 =	sadd.s32 $0xFFFFE003, lr  }
0x1b: {  	s9 =	sadd.s32 $0xFFFFFEF7, lr;
	s5 =	simm.s32 $0xFFFFFFFF;
	p2 =	slt.u32 s8, $0xFFFFF086  }
0x1c: {  	p1 =	slt.u32 s9, $0xF7A;
	s5 =	simm.s32 @!p2 $0x0  }
0x1d: {  	s5 =	simm.s32 @p1 $0x1;
	p0 =	seq.s32 s7, s2  }
0x1e: {  	s7 =	smul.u32 @!p0 $0xF7A, s2;
	p2 =	seq.s32 @!p0 s5, $0x0  }
0x1f: {  	s9 =	smul.u32 $0xF7A, s1;
	s8 =	simm.s32 @!p0 $0x1BF5;
	p2 =	por !p2, p0  }
0x20: {  	[sflag:s8] =	ssyncset.s32 @!p0 $0xFFFFF086;
	s6 =	sadd.s32 @!p0 s3, s7;
	s7 =	simm.s32 @!p0 $0x108  }
0x21: {  	s3 =	sadd.s32 s3, s9;
	s6 =	sadd.s32 @!p0 $0x88, s6;
	s7 =	simm.s32 @p2 $0x1082  }
0x22: {  	[simem:s7], [sflag:s8] =	dma.local @!p0 [hbm:s6], $0xF7A  }
0x23: {  	s9 =	sor.u32 $0xD0000000, s2;
	s6 =	simm.s32 $0x108;
	_ =	swait.ge @!p0 [sflag:s8], $0x0  }
0x24: {  	s3 =	sadd.s32 $0x88, s3;
	s6 =	simm.s32 @!p1 $0x1082;
	[sflag:s4] =	ssyncset.s32 $0xFFFFF086  }
0x25: {  	[simem:s6], [sflag:s4] =	dma.local [hbm:s3], $0xF7A  }
0x26: {  	[smem:$0x3F98] =	sst s1;
	(tag) =	ssettag s2;
	_ =	strace s9  }
0x27: {  	s1 =	sld [smem:$0x3FA8]  }
0x28: {  	s2 =	sld [smem:$0x3FA9]  }
0x29: {  	s4 =	sld [smem:$0x3FAB]  }
0x2a: {  	p0 =	seq.s32 s5, $0x0;
	s5 =	sld [smem:$0x3FAC]  }
0x2b: {  	s6 =	sld [smem:$0x3FAD]  }
0x2c: {  	s7 =	sld [smem:$0x3FAE]  }
0x2d: {  	s3 =	simm.s32 $0x108;
	s8 =	sld [smem:$0x3FAF]  }
0x2e: {  	s3 =	simm.s32 @!p0 $0x1082;
	s9 =	sld [smem:$0x3FB0]  }
0x2f: {  	lr =	sadd.s32 s0, s3;
	s0 =	sld [smem:$0x3FA7]  }
0x30: {  	s3 =	sld [smem:$0x3FAA]  }
0x31: {  	[smem:$0x3FB3] =	sst s10  }
0x32: {  	s10 =	sld [smem:$0x3FB1];
	_ =	sdelay $0x3  }
0x33: {  	p0 =	seq.s32 s10, $0x1;
	s10 =	sld [smem:$0x3FB3];
	_ =	sdelay $0x3  }
0x34: {  	[smem:$0x3FB3] =	sst s10  }
0x35: {  	s10 =	sld [smem:$0x3FB2];
	_ =	sdelay $0x3  }
0x36: {  	p1 =	seq.s32 s10, $0x1;
	s10 =	sld [smem:$0x3FB3];
	_ =	sdelay $0x3  }
0x37: {  	[smem:$0x3FB3] =	sst s10  }
0x38: {  	s10 =	sld [smem:$0x3FB4]  }
0x39: {  	_ = 	snop;
	(pc) =	sbr.ind lr, $3  }
0x3a: {  	_ = 	snop  }
0x3b: {  	_ = 	snop  }
0x3c: {  	p2 =	seq.s32 s10, $0x1;
	s10 =	sld [smem:$0x3FB3]  }
0x3d: {  	_ =	shalt  }
0x3e: {  	_ =	shalt  }
0x3f: {  	_ =	shalt  }
0x40: {  	_ =	shalt  }
0x41: {  	_ =	shalt  }
0x42: {  	_ =	shalt  }
0x43: {  	_ =	shalt  }
0x44: {  	_ =	shalt  }
0x45: {  	_ =	shalt  }
0x46: {  	_ =	shalt  }
0x47: {  	_ =	shalt  }
0x48: {  	_ =	shalt  }
0x49: {  	_ =	shalt  }
0x4a: {  	_ =	shalt  }
0x4b: {  	_ =	shalt  }
0x4c: {  	_ =	shalt  }
0x4d: {  	_ =	shalt  }
0x4e: {  	_ =	shalt  }
0x4f: {  	_ =	shalt  }
0x50: {  	_ =	shalt  }
0x51: {  	_ =	shalt  }
0x52: {  	_ =	shalt  }
0x53: {  	_ =	shalt  }
0x54: {  	_ =	shalt  }
0x55: {  	_ =	shalt  }
0x56: {  	_ =	shalt  }
0x57: {  	_ =	shalt  }
0x58: {  	_ =	shalt  }
0x59: {  	_ =	shalt  }
0x5a: {  	_ =	shalt  }
0x5b: {  	_ =	shalt  }
0x5c: {  	_ =	shalt  }
0x5d: {  	_ =	shalt  }
0x5e: {  	_ =	shalt  }
0x5f: {  	_ =	shalt  }
0x60: {  	_ =	shalt  }
0x61: {  	_ =	shalt  }
0x62: {  	_ =	shalt  }
0x63: {  	_ =	shalt  }
0x64: {  	_ =	shalt  }
0x65: {  	_ =	shalt  }
0x66: {  	_ =	shalt  }
0x67: {  	_ =	shalt  }
0x68: {  	_ =	shalt  }
0x69: {  	_ =	shalt  }
0x6a: {  	_ =	shalt  }
0x6b: {  	_ =	shalt  }
0x6c: {  	_ =	shalt  }
0x6d: {  	_ =	shalt  }
0x6e: {  	_ =	shalt  }
0x6f: {  	_ =	shalt  }
0x70: {  	_ =	shalt  }
0x71: {  	_ =	shalt  }
0x72: {  	_ =	shalt  }
0x73: {  	_ =	shalt  }
0x74: {  	_ =	shalt  }
0x75: {  	_ =	shalt  }
0x76: {  	_ =	shalt  }
0x77: {  	_ =	shalt  }
0x78: {  	_ =	shalt  }
0x79: {  	_ =	shalt  }
0x7a: {  	_ =	shalt  }
0x7b: {  	_ =	shalt  }
0x7c: {  	_ =	shalt  }
0x7d: {  	_ =	shalt  }
0x7e: {  	_ =	shalt  }
0x7f: {  	_ =	shalt  }
0x80: {  	_ =	shalt  }
0x81: {  	_ =	shalt  }
0x82: {  	_ =	shalt  }
0x83: {  	_ =	shalt  }
0x84: {  	_ =	shalt  }
0x85: {  	_ =	shalt  }
0x86: {  	_ =	shalt  }
0x87: {  	_ =	shalt  }
.Lfunc_end0:
.L_simem_size_0:
called_computation_lowered:
.L_overlay_start_0:
0x88: {  	s2 =	sld [smem:$0x3FD9]  }
0x89: {  	s3 =	sld [smem:$0x3FFE];
	_ =	sdelay $0x1  }
0x8a: {  	s1 =	srdreg.scid  }
0x8b: {  	s0 =	sand.u32 $0x1, s1  }
0x8c: {  	s17 =	sshll.u32 s0, $0xA;
	s2 =	sadd.s32 s3, s2  }
0x8d: {  	s2 =	sadd.s32 s2, s17  }
0x8e: {  	[smem:$0x3FBF] =	sst s2  }
0x8f: {  	_ = 	snop  }
0x90: {  	s2 =	sld [smem:$0x3FD0];
	(tm) =	ssettm $0x1  }
0x91: {  	s18 =	sld [smem:$0x3FFB];
	_ =	sdelay $0x3  }
0x92: {  	_ =	strace s18  }
0x93: {  	s3 =	sld [smem:$0x3FFC];
	_ =	sdelay $0x3  }
0x94: {  	_ =	strace s3  }
0x95: {  	s3 =	sld [smem:$0x3FFD];
	_ =	sdelay $0x3  }
0x96: {  	_ =	strace s3  }
0x97: {  	_ =	strace $0x8FFFFFFF  }
0x98: {  	s19 =	sld [smem:$0x3FDB];
	_ =	sdelay $0x1  }
0x99: {  	s4 =	simm.s32 $_scs_section_size  }
0x9a: {  	s5 =	simm.s32 $_size__tile_overlayer_lowered;
	s6 =	simm.s32 $_tile_overlayer_lowered  }
0x9b: {  	s22 =	simm.s32 $0x1BFF;
	s21 =	sshll.u32 s6, $0x1;
	s3 =	sadd.s32 s4, s19  }
0x9c: {  	s7 =	simm.s32 $0x0;
	s20 =	sshll.u32 s5, $0x1;
	s5 =	sadd.s32 s21, s3  }
0x9d: {  	[timem:s7], [sflag:s22] =	dma.local [hbm:s5], s20  }
0x9e: {  	_ =	swait.ge [sflag:s22], s20  }
0x9f: {  	s4 =	ssub.s32 $0x0, s20;
	[sflag:s22] =	ssyncset.done $0x0  }
0xa0: {  	[sflag:s22] =	ssyncadd.s32 s4;
	_ =	sdelay $0x1  }
0xa1: {  	s23 =	simm.s32 $0x1B8B  }
0xa2: {  	_ =	swait.ge [sflag:s23], $0x1  }
0xa3: {  	[sflag:s23] =	ssyncset.done $0x0  }
0xa4: {  	s25 =	simm.s32 $0x1B8E;
	s24 =	sld [smem:$0x3FFE];
	[sflag:s23] =	ssyncadd.s32 $0xFFFFFFFF  }
0xa5: {  	s26 =	simm.s32 $execute0_lowered;
	[smem:$0x3FD2] =	sst s25  }
0xa6: {  	s5 =	sshll.u32 s26, $0x1;
	_ =	strace $0x80000046;
	[dreg:$0x1] =	wrdreg $0xFFFFFFFF  }
0xa7: {  	s28 =	simm.s32 $_size_execute0_lowered;
	s3 =	sadd.s32 s3, s5;
	[dreg:$0x0] =	wrdreg $0x0  }
0xa8: {  	s5 =	sshll.u32 s28, $0x1;
	[dreg:$0x2] =	wrdreg s3  }
0xa9: {  	[dreg:$0x3] =	wrdreg s5  }
0xaa: {  	[dreg:$0x4] =	wrdreg $0xC0  }
0xab: {  	_ =	task [dreg:s7], $0x5FFFF  }
0xac: {  	[dreg:$0x1] =	wrdreg $0xFFFFFFFF  }
0xad: {  	[dreg:$0x0] =	wrdreg $0x60  }
0xae: {  	[dreg:$0x2] =	wrdreg s24  }
0xaf: {  	[dreg:$0x3] =	wrdreg s2  }
0xb0: {  	[dreg:$0x4] =	wrdreg $0x0  }
0xb1: {  	[dreg:$0x5] =	wrdreg $0x9  }
0xb2: {  	_ =	task.clear_ibuf [dreg:s7], $0x6FFFF;
	_ =	strace $0x90000046  }
0xb3: {  	s29 =	simm.s32 $0x9;
	_ =	strace $0x80000048  }
0xb4: {  	_ =	swait.ge [sflag:s29], $0x1  }
0xb5: {  	[sflag:s29] =	ssyncadd.s32 $0xFFFFFFFF  }
0xb6: {  	_ =	strace $0x90000048  }
0xb7: {  	_ =	sfence  }
0xb8: {  	s30 =	sld [smem:$0x0];
	_ =	sdelay $0x2  }
0xb9: {  	s31 =	sshll.u32 s1, $0xD;
	s1 =	sshrl.u32 s1, $0x2  }
0xba: {  	s3 =	sand.u32 $0x4000, s31;
	s1 =	sadd.s32 s1, s30  }
0xbb: {  	s0 =	sor.u32 s3, s0;
	s1 =	sshll.u32 s1, $0x11  }
0xbc: {  	s0 =	sor.u32 s1, s0  }
0xbd: {  	s0 =	sadd.s32 $0x8F2B, s0  }
0xbe: {  	[sflag:s0] =	ssyncadd.remote.s32 $0x1  }
0xbf: {  	_ =	sfence.sel $0xFFFF  }
0xc0: {  	[dreg:$0x0] =	wrdreg $0xFFFFFFFF;
	(pc) =	sbr.abs _section_cstart, $3  }
0xc1: {  	[dreg:$0x1] =	wrdreg $0xFFFFFFFF  }
0xc2: {  	_ =	task.clear_ibuf [dreg:s7], $0x2FFFF;
	_ =	strace $0x9FFFFFFF  }
0xc3: {  	(tm) =	ssettm $0x7FFFFFFF  }
tec
execute0_lowered:
.L_overlay_start_1:
0x0: {  	(tag) =	ssettag $0x1  }
0x1: {  	s5 =	rddreg [dreg:$0x0]  }
0x2: {  	s2 =	rddreg [dreg:$0x1]  }
0x3: {  	s0 =	srdreg.scid;
	s3 =	rddreg [dreg:$0x2]  }
0x4: {  	s4 =	simm.s32 $0x0;
	s6 =	sand.u32 $0x1, s0;
	s0 =	stileid.u32  }
0x5: {  	s17 =	simm.s32 $0x7D;
	[smem:$0x7FF] =	sst s4;
	s8 =	smul.u32 $0x5000, s6  }
0x6: {  	s1 =	sshll.u32 s6, $0x4;
	s6 =	ssub.s32 $0x2, s6;
	s9 =	smul.u32 $0xA000, s0  }
0x7: {  	s11 =	smul.u32 $0x2800, s0;
	s31 =	sshll.u32 s0, $0x6;
	s7 =	sor.u32 s0, s1  }
0x8: {  	s1 =	rddreg [dreg:$0x3];
	_ =	strace $0x80000047;
	s10 =	sshrl.u32 s6, $0x1  }
0x9: {  	s7 =	smul.u32 $0x500, s7;
	s8 =	sadd.s32 s8, s5;
	s10 =	ssub.s32 s6, s10  }
0xa: {  	s29 =	sshrl.u32 s9, $0x2;
	s12 =	sadd.s32 s11, s3;
	s6 =	sadd.s32 $0xFA, s2  }
0xb: {  	s19 =	sshrl.u32 s11, $0x3;
	s9 =	simm.s32 $0x1;
	s11 =	sor.u32 $0x1C01, s31  }
0xc: {  	s30 =	sadd.s32 s29, s3;
	s18 =	sadd.s32 $0xC000, s8;
	s8 =	simm.s32 $0x2800  }
0xd: {  	s12 =	sshrl.u32 s12, $0x3;
	s7 =	sadd.s32 s7, s5;
	s13 =	sadd.s32 $0x800, s30  }
0xe: {  	s14 =	sadd.s32 $0x1000, s30;
	s15 =	sadd.s32 $0x1800, s30;
	s16 =	sadd.s32 $0x2000, s30  }
0xf: {  	s18 =	sadd.s32 s19, s18;
	s19 =	simm.s32 $0x0;
	s5 =	sadd.s32 $0x2000, s7  }
0x10: {  	s7 =	smax.u32 s10, $0x1;
	s10 =	simm.s32 $0x5000;
	s13 =	sshrl.u32 s13, $0x3  }
0x11: {  	s14 =	sshrl.u32 s14, $0x3;
	s15 =	sshrl.u32 s15, $0x3;
	s16 =	sshrl.u32 s16, $0x3  }
.LBB2_1:
0x12: {  	[tilespmem:s8], [sflag:$0x1] =	stream.linear.gather [hbm4b:s5+s4], $0x2800, $0x38;
	[tilespmem:$0x57D0] =	vst v63  }
0x13: {  	_ =	swait.ge [sflag:s9], $0x2800  }
0x14: {  	[sflag:s9] =	ssyncset.done $0x0  }
0x15: {  	[sflag:s9] =	ssyncadd.s32 $0xFFFFD800  }
0x16: {  	[tilespmem:s10], [sflag:$0x1] =	stream.linear.gather [hbm4b:s2+s4], $0x7D0, $0x38;
	[tilespmem:$0x57D0] =	vst v63  }
0x17: {  	_ =	swait.ge [sflag:s9], $0x7D0  }
0x18: {  	[sflag:s9] =	ssyncset.done $0x0  }
0x19: {  	[sflag:s9] =	ssyncadd.s32 $0xFFFFF830  }
0x1a: {  	[spmem:s12], [sflag:s11] =	dma.local [hbm:s6], $0x100  }
0x1b: {  	_ =	swait.ge [sflag:s9], $0x100  }
0x1c: {  	[sflag:s9] =	ssyncset.done $0x0  }
0x1d: {  	[sflag:s9] =	ssyncadd.s32 $0xFFFFFF00  }
0x1e: {  	[spmem:s13], [sflag:s11] =	dma.local [hbm:s6], $0x100  }
0x1f: {  	_ =	swait.ge [sflag:s9], $0x100  }
0x20: {  	[sflag:s9] =	ssyncset.done $0x0  }
0x21: {  	[sflag:s9] =	ssyncadd.s32 $0xFFFFFF00  }
0x22: {  	[spmem:s14], [sflag:s11] =	dma.local [hbm:s6], $0x100  }
0x23: {  	_ =	swait.ge [sflag:s9], $0x100  }
0x24: {  	[sflag:s9] =	ssyncset.done $0x0  }
0x25: {  	[sflag:s9] =	ssyncadd.s32 $0xFFFFFF00  }
0x26: {  	[spmem:s15], [sflag:s11] =	dma.local [hbm:s6], $0x100  }
0x27: {  	_ =	swait.ge [sflag:s9], $0x100  }
0x28: {  	[sflag:s9] =	ssyncset.done $0x0  }
0x29: {  	[sflag:s9] =	ssyncadd.s32 $0xFFFFFF00  }
0x2a: {  	[spmem:s16], [sflag:s11] =	dma.local [hbm:s6], $0x100  }
0x2b: {  	_ =	swait.ge [sflag:s9], $0x100  }
0x2c: {  	[sflag:s9] =	ssyncset.done $0x0  }
0x2d: {  	[sflag:s9] =	ssyncadd.s32 $0xFFFFFF00  }
0x2e: {  	s20 =	simm.s32 $0x2800;
	[bflag:$0x0] =	sbarrier.arrive $0xFFFF  }
0x2f: {  	[spmem:s3] =	stream.indirect.scatter.add.f32 [tilespmem:s10], [sflag:$0x1], $0x10, s20, s17, $0xb8;
	[tilespmem:$0x57D0] =	vst v63  }
0x30: {  	s20 =	simm.s32 $0x200;
	_ =	swait.ge [sflag:s9], $0x7D0  }
.LBB2_2:
0x31: {  	s21 =	sshra.s32 s20, $0x2;
	[sflag:s9] =	ssyncset.done $0x0;
	p0 =	sne.s32 s20, $0x9E00  }
.Ltmp0:
0x32: {  	s21 =	sadd.s32 $0x2800, s21;
	[sflag:s9] =	ssyncadd.s32 $0xFFFFF830;
	(pc) =	sbr.rel @p0 .LBB2_2-.Ltmp0, $3  }
0x33: {  	[spmem:s3] =	stream.indirect.scatter.add.f32 [tilespmem:s10], [sflag:$0x1], $0x10, s21, s17, $0xb8;
	[tilespmem:$0x57D0] =	vst v63  }
0x34: {  	s20 =	sadd.s32 $0x200, s20;
	_ =	sdelay $0x1  }
0x35: {  	_ =	swait.ge [sflag:s9], $0x7D0  }
0x36: {  	[sflag:s9] =	ssyncset.done $0x0;
	s19 =	sadd.s32 $0x1, s19  }
0x37: {  	[sflag:s9] =	ssyncadd.s32 $0xFFFFF830;
	p0 =	sne.s32 s19, s7  }
.Ltmp1:
0x38: {  	[bflag:$0x0] =	sbarrier.arrive $0xFFFF;
	(pc) =	sbr.rel @p0 .LBB2_1-.Ltmp1, $4  }
0x39: {  	[hbm:s18], [sflag:s11] =	dma.local [spmem:s12], $0x500  }
0x3a: {  	_ =	swait.ge [sflag:s9], $0x500  }
0x3b: {  	[sflag:s9] =	ssyncset.done $0x0  }
0x3c: {  	[sflag:s9] =	ssyncadd.s32 $0xFFFFFB00  }
0x3d: {  	_ =	sfence.sel $0x180000  }
0x3e: {  	[bflag:$0x0] =	sbarrier.arrive $0xFFFF  }
0x3f: {  	p0 =	sne.s32 s0, $0x0;
	_ =	strace $0x90000047  }
0x40: {  	s0 =	sadd.s32 @!p0 $0x100000, s1;
	[bflag:$0x2] =	sbarrier.arrive $0xFFFF  }
0x41: {  	[sflag:s0] =	ssyncadd.tile.s32 @!p0 $0x1;
	_ =	shalt  }
.Lfunc_end2:
_tile_overlayer_lowered:
.L_overlay_start_2:
0x42: {  	(tag) =	ssettag $0x2  }
0x43: {  	s0 =	rddreg [dreg:$0x0];
	s2 =	stileid.u32  }
0x44: {  	s1 =	rddreg [dreg:$0x1];
	p0 =	sne.s32 s2, $0x0  }
0x45: {  	s3 =	rddreg [dreg:$0x2];
	[bflag:$0x3] =	sbarrier.arrive $0xFFFF;
	s2 =	simm.s32 @!p0 $0x1C01  }
0x46: {  	[timem:s3], [sflag:s2] =	dma.local @!p0 [hbm:s0], s1  }
0x47: {  	s0 =	simm.s32 @!p0 $0x1  }
0x48: {  	_ =	swait.ge @!p0 [sflag:s0], s1  }
0x49: {  	s1 =	ssub.s32 @!p0 $0x0, s1;
	[sflag:s0] =	ssyncset.done @!p0 $0x0  }
0x4a: {  	[sflag:s0] =	ssyncadd.s32 @!p0 s1  }
0x4b: {  	[bflag:$0x3] =	sbarrier.arrive $0xFFFF  }
0x4c: {  	_ =	shalt  }

</sc_bundles>
